<compile_context>
chip_gen: v7x
topology: tpu7x:2x2x1
jax: 0.10.2.dev20260603
libtpu: 0.0.44.dev20260713+nightly
codegen_flags: <defaults>
</compile_context>

<pallas_src>
import functools

import jax
import jax.numpy as jnp
from jax import lax
from jax.experimental import pallas as pl
from jax.experimental.pallas import tpu as pltpu
from jax.experimental.pallas import tpu_sc as plsc

N_NODES = 10000
N_EDGES = 160000
D_FEAT = 256

_NUM_CORES = 2
_NUM_SUBCORES = 16
_NW = _NUM_CORES * _NUM_SUBCORES
_B_PER_W = N_EDGES // _NW
_CHUNK = 40
_NCPG = 5
_GRP = _NCPG * _CHUNK
_NSLOT = 2
_NGRP = _B_PER_W // _GRP
_NPAIR = _NGRP // _NSLOT

_mesh = plsc.VectorSubcoreMesh(core_axis_name="c", subcore_axis_name="s")


@functools.partial(
    pl.kernel,
    mesh=_mesh,
    out_type=jax.ShapeDtypeStruct((N_EDGES, D_FEAT), jnp.float32),
    scratch_types=(
        [pltpu.VMEM((_B_PER_W,), jnp.int32)]
        + [pltpu.VMEM((_GRP, D_FEAT), jnp.float32) for _ in range(_NSLOT)]
        + [pltpu.SemaphoreType.DMA for _ in range(_NSLOT * _NCPG + _NSLOT)]
    ),
)
def _gather_rows(idx_hbm, x_hbm, out_hbm, idx_v, *bufs_and_sems):
    grp = bufs_and_sems[:_NSLOT]
    sem_g = bufs_and_sems[_NSLOT:_NSLOT + _NSLOT * _NCPG]
    sem_s = bufs_and_sems[_NSLOT + _NSLOT * _NCPG:]
    wid = lax.axis_index("s") * _NUM_CORES + lax.axis_index("c")
    base = wid * _B_PER_W
    pltpu.sync_copy(idx_hbm.at[pl.ds(base, _B_PER_W)], idx_v)

    def do_group(goff, p, drain):
        if drain is True:
            pltpu.make_async_copy(
                grp[p], out_hbm.at[pl.ds(base, _GRP)], sem_s[p]
            ).wait()
        elif drain is not None:
            @pl.when(drain)
            def _():
                pltpu.make_async_copy(
                    grp[p], out_hbm.at[pl.ds(base, _GRP)], sem_s[p]
                ).wait()
        for b in range(_NCPG):
            pltpu.async_copy(
                x_hbm.at[idx_v.at[pl.ds(goff + b * _CHUNK, _CHUNK)]],
                grp[p].at[pl.ds(b * _CHUNK, _CHUNK)],
                sem_g[p * _NCPG + b],
            )
        for b in range(_NCPG):
            pltpu.make_async_copy(
                x_hbm.at[idx_v.at[pl.ds(goff + b * _CHUNK, _CHUNK)]],
                grp[p].at[pl.ds(b * _CHUNK, _CHUNK)],
                sem_g[p * _NCPG + b],
            ).wait()
        pltpu.async_copy(grp[p], out_hbm.at[pl.ds(base + goff, _GRP)],
                         sem_s[p])

    def body(i, carry):
        for p in range(_NSLOT):
            do_group((_NSLOT * i + p) * _GRP, p, i > 0)
        return carry

    lax.fori_loop(0, _NPAIR, body, 0)
    for g in range(_NSLOT * _NPAIR, _NGRP):
        do_group(g * _GRP, g % _NSLOT, True)
    for p in range(_NSLOT):
        pltpu.make_async_copy(
            grp[p], out_hbm.at[pl.ds(base, _GRP)], sem_s[p]
        ).wait()


def kernel(edge_index, x):
    idx = edge_index[0].astype(jnp.int32)
    return _gather_rows(idx, x)

# --- scband reference (transcript-rebuilt; emitter-appended) ---
"""Pipeline reference for scband-edge-message-passing-8065948582106 (READ-ONLY COPY).

The authoritative reference and input builder live on the scoring server;
editing this copy changes nothing except your own understanding.
"""

import jax, jax.numpy as jnp
import numpy as np

N_NODES = 10000
N_EDGES = 160000
D_FEAT = 256

def setup_inputs(seed: int = 0) -> dict:
    key = jax.random.key(seed)
    k1, k2 = jax.random.split(key)
    edge_index = jax.random.randint(k1, (2, N_EDGES), 0, N_NODES, dtype=jnp.int64)
    x = jax.random.normal(k2, (N_NODES, D_FEAT), dtype=jnp.float32)
    return {"edge_index": edge_index, "x": x}

def reference(edge_index, x):
    # EdgeMessagePassing with aggr='no_aggr', flow='source_to_target':
    # propagate gathers x_j = index_select(x, 0, edge_index[j]) with j=0,
    # and message(x_j) returns x_j unchanged (no aggregation step).
    x_j = jnp.take(x, edge_index[0], axis=0)
    return x_j

if __name__ == "__main__":
    import jax
    _d = setup_inputs()
    print(jax.jit(kernel)(*tuple(_d.values())))

</pallas_src>

<mosaic_0001>
#map = affine_map<(d0, d1) -> (0)>
#map1 = affine_map<(d0, d1) -> (0, 0)>
module attributes {stable_mosaic.version = 14 : i64} {
  func.func @_gather_rows(%arg0: i32, %arg1: i32, %arg2: memref<160000xi32, #tpu.memory_space<hbm>>, %arg3: memref<10000x256xf32, #tpu.memory_space<hbm>>, %arg4: memref<160000x256xf32, #tpu.memory_space<hbm>>, %arg5: memref<5000xi32, #tpu.memory_space<vmem>>, %arg6: memref<200x256xf32, #tpu.memory_space<vmem>>, %arg7: memref<200x256xf32, #tpu.memory_space<vmem>>, %arg8: memref<!tpu.dma_semaphore, #tpu.memory_space<semaphore_mem>>, %arg9: memref<!tpu.dma_semaphore, #tpu.memory_space<semaphore_mem>>, %arg10: memref<!tpu.dma_semaphore, #tpu.memory_space<semaphore_mem>>, %arg11: memref<!tpu.dma_semaphore, #tpu.memory_space<semaphore_mem>>, %arg12: memref<!tpu.dma_semaphore, #tpu.memory_space<semaphore_mem>>, %arg13: memref<!tpu.dma_semaphore, #tpu.memory_space<semaphore_mem>>, %arg14: memref<!tpu.dma_semaphore, #tpu.memory_space<semaphore_mem>>, %arg15: memref<!tpu.dma_semaphore, #tpu.memory_space<semaphore_mem>>, %arg16: memref<!tpu.dma_semaphore, #tpu.memory_space<semaphore_mem>>, %arg17: memref<!tpu.dma_semaphore, #tpu.memory_space<semaphore_mem>>, %arg18: memref<!tpu.dma_semaphore, #tpu.memory_space<semaphore_mem>>, %arg19: memref<!tpu.dma_semaphore, #tpu.memory_space<semaphore_mem>>) attributes {dimension_semantics = [#tpu.dimension_semantics<core_parallel>, #tpu.dimension_semantics<subcore_parallel>], iteration_bounds = array<i64: 2, 16>, scalar_prefetch = 0 : i64, scratch_operands = 15 : i64, tpu.core_type = #tpu.core_type<sc_vector_subcore>, window_params = [{transform_indices = #map}, {transform_indices = #map1}, {transform_indices = #map1}]} {
    %mul3A = arith.constant 2 : i32
    %mul3A_0 = arith.muli %arg1, %mul3A : i32
    %add3A = arith.addi %mul3A_0, %arg0 : i32
    %mul3A_1 = arith.constant 5000 : i32
    %mul3A_2 = arith.muli %add3A, %mul3A_1 : i32
    "tpu.region"() ({
      %run_scoped3A = tpu.sem_alloc : memref<!tpu.dma_semaphore, #tpu.memory_space<semaphore_mem>>
      %dma_start3A_104 = tpu.memref_slice %arg2[%mul3A_2] : memref<160000xi32, #tpu.memory_space<hbm>> -> memref<5000xi32, #tpu.memory_space<hbm>>
      %dma_start3A_105 = tpu.memref_slice %arg2[%mul3A_2] : memref<160000xi32, #tpu.memory_space<hbm>> -> memref<5000xi32, #tpu.memory_space<hbm>>
      tpu.enqueue_dma source(%dma_start3A_105 : memref<5000xi32, #tpu.memory_space<hbm>>) target(%arg5 : memref<5000xi32, #tpu.memory_space<vmem>>) target_semaphore(%run_scoped3A : memref<!tpu.dma_semaphore, #tpu.memory_space<semaphore_mem>>)
      %dma_wait3A_106 = tpu.memref_slice %arg2[%mul3A_2] : memref<160000xi32, #tpu.memory_space<hbm>> -> memref<5000xi32, #tpu.memory_space<hbm>>
      %dma_wait3A_107 = tpu.memref_slice %arg2[%mul3A_2] : memref<160000xi32, #tpu.memory_space<hbm>> -> memref<5000xi32, #tpu.memory_space<hbm>>
      tpu.wait_dma2 semaphore(%run_scoped3A : memref<!tpu.dma_semaphore, #tpu.memory_space<semaphore_mem>>) src(%dma_wait3A_107 : memref<5000xi32, #tpu.memory_space<hbm>>) dst(%arg5 : memref<5000xi32, #tpu.memory_space<vmem>>)
      tpu.yield
    }) : () -> ()
    %scan3A = arith.constant 0 : i32
    %scan3A_3 = arith.constant 0 : i32
    %scan3A_4 = arith.constant 12 : i32
    %scan3A_5 = arith.addi %scan3A_3, %scan3A_4 : i32
    %scan3A_6 = arith.constant 1 : i32
    scf.for %scan3A_104 = %scan3A_3 to %scan3A_5 step %scan3A_6  : i32 {
      %mul3A_105 = arith.constant 2 : i32
      %mul3A_106 = arith.muli %mul3A_105, %scan3A_104 : i32
      %add3A_107 = arith.constant 0 : i32
      %add3A_108 = arith.addi %mul3A_106, %add3A_107 : i32
      %mul3A_109 = arith.constant 200 : i32
      %mul3A_110 = arith.muli %add3A_108, %mul3A_109 : i32
      %gt3A = arith.constant 0 : i32
      %gt3A_111 = arith.cmpi sgt, %scan3A_104, %gt3A : i32
      %convert_element_type3A = arith.extui %gt3A_111 : i1 to i32
      %cond3A = arith.constant 0 : i32
      %cond3A_112 = arith.cmpi ne, %convert_element_type3A, %cond3A : i32
      scf.if %cond3A_112 {
        %dma_wait3A_314 = arith.constant 0 : i32
        %dma_wait3A_315 = tpu.memref_slice %arg4[%mul3A_2, %dma_wait3A_314] : memref<160000x256xf32, #tpu.memory_space<hbm>> -> memref<200x256xf32, #tpu.memory_space<hbm>>
        %dma_wait3A_316 = arith.constant 0 : i32
        %dma_wait3A_317 = tpu.memref_slice %arg4[%mul3A_2, %dma_wait3A_316] : memref<160000x256xf32, #tpu.memory_space<hbm>> -> memref<200x256xf32, #tpu.memory_space<hbm>>
        tpu.wait_dma2 semaphore(%arg18 : memref<!tpu.dma_semaphore, #tpu.memory_space<semaphore_mem>>) src(%arg6 : memref<200x256xf32, #tpu.memory_space<vmem>>) dst(%dma_wait3A_317 : memref<200x256xf32, #tpu.memory_space<hbm>>)
      } else {
      }
      %add3A_113 = arith.constant 0 : i32
      %add3A_114 = arith.addi %mul3A_110, %add3A_113 : i32
      %dma_start3A_115 = arith.constant 0 : i32
      %dma_start3A_116 = arith.constant 0 : i32
      %dma_start3A_117 = tpu.memref_slice %arg6[%dma_start3A_115, %dma_start3A_116] : memref<200x256xf32, #tpu.memory_space<vmem>> -> memref<40x256xf32, #tpu.memory_space<vmem>>
      %dma_start3A_118 = tpu.memref_slice %arg5[%add3A_114] : memref<5000xi32, #tpu.memory_space<vmem>> -> memref<40xi32, #tpu.memory_space<vmem>>
      %dma_start3A_119 = arith.constant 0 : i32
      %dma_start3A_120 = arith.constant 0 : i32
      %dma_start3A_121 = tpu.memref_slice %arg3[%dma_start3A_119, %dma_start3A_120] : memref<10000x256xf32, #tpu.memory_space<hbm>> -> memref<10000x256xf32, #tpu.memory_space<hbm>>
      tpu.enqueue_indirect_dma source(%dma_start3A_121 : memref<10000x256xf32, #tpu.memory_space<hbm>>) target(%dma_start3A_117 : memref<40x256xf32, #tpu.memory_space<vmem>>) offsets(%dma_start3A_118 : memref<40xi32, #tpu.memory_space<vmem>>) semaphore(%arg8 : memref<!tpu.dma_semaphore, #tpu.memory_space<semaphore_mem>>)
      %add3A_122 = arith.constant 40 : i32
      %add3A_123 = arith.addi %mul3A_110, %add3A_122 : i32
      %dma_start3A_124 = arith.constant 40 : i32
      %dma_start3A_125 = arith.constant 0 : i32
      %dma_start3A_126 = tpu.memref_slice %arg6[%dma_start3A_124, %dma_start3A_125] : memref<200x256xf32, #tpu.memory_space<vmem>> -> memref<40x256xf32, #tpu.memory_space<vmem>>
      %dma_start3A_127 = tpu.memref_slice %arg5[%add3A_123] : memref<5000xi32, #tpu.memory_space<vmem>> -> memref<40xi32, #tpu.memory_space<vmem>>
      %dma_start3A_128 = arith.constant 0 : i32
      %dma_start3A_129 = arith.constant 0 : i32
      %dma_start3A_130 = tpu.memref_slice %arg3[%dma_start3A_128, %dma_start3A_129] : memref<10000x256xf32, #tpu.memory_space<hbm>> -> memref<10000x256xf32, #tpu.memory_space<hbm>>
      tpu.enqueue_indirect_dma source(%dma_start3A_130 : memref<10000x256xf32, #tpu.memory_space<hbm>>) target(%dma_start3A_126 : memref<40x256xf32, #tpu.memory_space<vmem>>) offsets(%dma_start3A_127 : memref<40xi32, #tpu.memory_space<vmem>>) semaphore(%arg9 : memref<!tpu.dma_semaphore, #tpu.memory_space<semaphore_mem>>)
      %add3A_131 = arith.constant 80 : i32
      %add3A_132 = arith.addi %mul3A_110, %add3A_131 : i32
      %dma_start3A_133 = arith.constant 80 : i32
      %dma_start3A_134 = arith.constant 0 : i32
      %dma_start3A_135 = tpu.memref_slice %arg6[%dma_start3A_133, %dma_start3A_134] : memref<200x256xf32, #tpu.memory_space<vmem>> -> memref<40x256xf32, #tpu.memory_space<vmem>>
      %dma_start3A_136 = tpu.memref_slice %arg5[%add3A_132] : memref<5000xi32, #tpu.memory_space<vmem>> -> memref<40xi32, #tpu.memory_space<vmem>>
      %dma_start3A_137 = arith.constant 0 : i32
      %dma_start3A_138 = arith.constant 0 : i32
      %dma_start3A_139 = tpu.memref_slice %arg3[%dma_start3A_137, %dma_start3A_138] : memref<10000x256xf32, #tpu.memory_space<hbm>> -> memref<10000x256xf32, #tpu.memory_space<hbm>>
      tpu.enqueue_indirect_dma source(%dma_start3A_139 : memref<10000x256xf32, #tpu.memory_space<hbm>>) target(%dma_start3A_135 : memref<40x256xf32, #tpu.memory_space<vmem>>) offsets(%dma_start3A_136 : memref<40xi32, #tpu.memory_space<vmem>>) semaphore(%arg10 : memref<!tpu.dma_semaphore, #tpu.memory_space<semaphore_mem>>)
      %add3A_140 = arith.constant 120 : i32
      %add3A_141 = arith.addi %mul3A_110, %add3A_140 : i32
      %dma_start3A_142 = arith.constant 120 : i32
      %dma_start3A_143 = arith.constant 0 : i32
      %dma_start3A_144 = tpu.memref_slice %arg6[%dma_start3A_142, %dma_start3A_143] : memref<200x256xf32, #tpu.memory_space<vmem>> -> memref<40x256xf32, #tpu.memory_space<vmem>>
      %dma_start3A_145 = tpu.memref_slice %arg5[%add3A_141] : memref<5000xi32, #tpu.memory_space<vmem>> -> memref<40xi32, #tpu.memory_space<vmem>>
      %dma_start3A_146 = arith.constant 0 : i32
      %dma_start3A_147 = arith.constant 0 : i32
      %dma_start3A_148 = tpu.memref_slice %arg3[%dma_start3A_146, %dma_start3A_147] : memref<10000x256xf32, #tpu.memory_space<hbm>> -> memref<10000x256xf32, #tpu.memory_space<hbm>>
      tpu.enqueue_indirect_dma source(%dma_start3A_148 : memref<10000x256xf32, #tpu.memory_space<hbm>>) target(%dma_start3A_144 : memref<40x256xf32, #tpu.memory_space<vmem>>) offsets(%dma_start3A_145 : memref<40xi32, #tpu.memory_space<vmem>>) semaphore(%arg11 : memref<!tpu.dma_semaphore, #tpu.memory_space<semaphore_mem>>)
      %add3A_149 = arith.constant 160 : i32
      %add3A_150 = arith.addi %mul3A_110, %add3A_149 : i32
      %dma_start3A_151 = arith.constant 160 : i32
      %dma_start3A_152 = arith.constant 0 : i32
      %dma_start3A_153 = tpu.memref_slice %arg6[%dma_start3A_151, %dma_start3A_152] : memref<200x256xf32, #tpu.memory_space<vmem>> -> memref<40x256xf32, #tpu.memory_space<vmem>>
      %dma_start3A_154 = tpu.memref_slice %arg5[%add3A_150] : memref<5000xi32, #tpu.memory_space<vmem>> -> memref<40xi32, #tpu.memory_space<vmem>>
      %dma_start3A_155 = arith.constant 0 : i32
      %dma_start3A_156 = arith.constant 0 : i32
      %dma_start3A_157 = tpu.memref_slice %arg3[%dma_start3A_155, %dma_start3A_156] : memref<10000x256xf32, #tpu.memory_space<hbm>> -> memref<10000x256xf32, #tpu.memory_space<hbm>>
      tpu.enqueue_indirect_dma source(%dma_start3A_157 : memref<10000x256xf32, #tpu.memory_space<hbm>>) target(%dma_start3A_153 : memref<40x256xf32, #tpu.memory_space<vmem>>) offsets(%dma_start3A_154 : memref<40xi32, #tpu.memory_space<vmem>>) semaphore(%arg12 : memref<!tpu.dma_semaphore, #tpu.memory_space<semaphore_mem>>)
      %add3A_158 = arith.constant 0 : i32
      %add3A_159 = arith.addi %mul3A_110, %add3A_158 : i32
      %dma_wait3A_160 = arith.constant 0 : i32
      %dma_wait3A_161 = arith.constant 0 : i32
      %dma_wait3A_162 = tpu.memref_slice %arg6[%dma_wait3A_160, %dma_wait3A_161] : memref<200x256xf32, #tpu.memory_space<vmem>> -> memref<40x256xf32, #tpu.memory_space<vmem>>
      %dma_wait3A_163 = tpu.memref_slice %arg5[%add3A_159] : memref<5000xi32, #tpu.memory_space<vmem>> -> memref<40xi32, #tpu.memory_space<vmem>>
      %dma_wait3A_164 = arith.constant 0 : i32
      %dma_wait3A_165 = arith.constant 0 : i32
      %dma_wait3A_166 = tpu.memref_slice %arg3[%dma_wait3A_164, %dma_wait3A_165] : memref<10000x256xf32, #tpu.memory_space<hbm>> -> memref<10000x256xf32, #tpu.memory_space<hbm>>
      tpu.wait_indirect_dma semaphore(%arg8 : memref<!tpu.dma_semaphore, #tpu.memory_space<semaphore_mem>>) src(%dma_wait3A_166 : memref<10000x256xf32, #tpu.memory_space<hbm>>) dst(%dma_wait3A_162 : memref<40x256xf32, #tpu.memory_space<vmem>>)
      %add3A_167 = arith.constant 40 : i32
      %add3A_168 = arith.addi %mul3A_110, %add3A_167 : i32
      %dma_wait3A_169 = arith.constant 40 : i32
      %dma_wait3A_170 = arith.constant 0 : i32
      %dma_wait3A_171 = tpu.memref_slice %arg6[%dma_wait3A_169, %dma_wait3A_170] : memref<200x256xf32, #tpu.memory_space<vmem>> -> memref<40x256xf32, #tpu.memory_space<vmem>>
      %dma_wait3A_172 = tpu.memref_slice %arg5[%add3A_168] : memref<5000xi32, #tpu.memory_space<vmem>> -> memref<40xi32, #tpu.memory_space<vmem>>
      %dma_wait3A_173 = arith.constant 0 : i32
      %dma_wait3A_174 = arith.constant 0 : i32
      %dma_wait3A_175 = tpu.memref_slice %arg3[%dma_wait3A_173, %dma_wait3A_174] : memref<10000x256xf32, #tpu.memory_space<hbm>> -> memref<10000x256xf32, #tpu.memory_space<hbm>>
      tpu.wait_indirect_dma semaphore(%arg9 : memref<!tpu.dma_semaphore, #tpu.memory_space<semaphore_mem>>) src(%dma_wait3A_175 : memref<10000x256xf32, #tpu.memory_space<hbm>>) dst(%dma_wait3A_171 : memref<40x256xf32, #tpu.memory_space<vmem>>)
      %add3A_176 = arith.constant 80 : i32
      %add3A_177 = arith.addi %mul3A_110, %add3A_176 : i32
      %dma_wait3A_178 = arith.constant 80 : i32
      %dma_wait3A_179 = arith.constant 0 : i32
      %dma_wait3A_180 = tpu.memref_slice %arg6[%dma_wait3A_178, %dma_wait3A_179] : memref<200x256xf32, #tpu.memory_space<vmem>> -> memref<40x256xf32, #tpu.memory_space<vmem>>
      %dma_wait3A_181 = tpu.memref_slice %arg5[%add3A_177] : memref<5000xi32, #tpu.memory_space<vmem>> -> memref<40xi32, #tpu.memory_space<vmem>>
      %dma_wait3A_182 = arith.constant 0 : i32
      %dma_wait3A_183 = arith.constant 0 : i32
      %dma_wait3A_184 = tpu.memref_slice %arg3[%dma_wait3A_182, %dma_wait3A_183] : memref<10000x256xf32, #tpu.memory_space<hbm>> -> memref<10000x256xf32, #tpu.memory_space<hbm>>
      tpu.wait_indirect_dma semaphore(%arg10 : memref<!tpu.dma_semaphore, #tpu.memory_space<semaphore_mem>>) src(%dma_wait3A_184 : memref<10000x256xf32, #tpu.memory_space<hbm>>) dst(%dma_wait3A_180 : memref<40x256xf32, #tpu.memory_space<vmem>>)
      %add3A_185 = arith.constant 120 : i32
      %add3A_186 = arith.addi %mul3A_110, %add3A_185 : i32
      %dma_wait3A_187 = arith.constant 120 : i32
      %dma_wait3A_188 = arith.constant 0 : i32
      %dma_wait3A_189 = tpu.memref_slice %arg6[%dma_wait3A_187, %dma_wait3A_188] : memref<200x256xf32, #tpu.memory_space<vmem>> -> memref<40x256xf32, #tpu.memory_space<vmem>>
      %dma_wait3A_190 = tpu.memref_slice %arg5[%add3A_186] : memref<5000xi32, #tpu.memory_space<vmem>> -> memref<40xi32, #tpu.memory_space<vmem>>
      %dma_wait3A_191 = arith.constant 0 : i32
      %dma_wait3A_192 = arith.constant 0 : i32
      %dma_wait3A_193 = tpu.memref_slice %arg3[%dma_wait3A_191, %dma_wait3A_192] : memref<10000x256xf32, #tpu.memory_space<hbm>> -> memref<10000x256xf32, #tpu.memory_space<hbm>>
      tpu.wait_indirect_dma semaphore(%arg11 : memref<!tpu.dma_semaphore, #tpu.memory_space<semaphore_mem>>) src(%dma_wait3A_193 : memref<10000x256xf32, #tpu.memory_space<hbm>>) dst(%dma_wait3A_189 : memref<40x256xf32, #tpu.memory_space<vmem>>)
      %add3A_194 = arith.constant 160 : i32
      %add3A_195 = arith.addi %mul3A_110, %add3A_194 : i32
      %dma_wait3A_196 = arith.constant 160 : i32
      %dma_wait3A_197 = arith.constant 0 : i32
      %dma_wait3A_198 = tpu.memref_slice %arg6[%dma_wait3A_196, %dma_wait3A_197] : memref<200x256xf32, #tpu.memory_space<vmem>> -> memref<40x256xf32, #tpu.memory_space<vmem>>
      %dma_wait3A_199 = tpu.memref_slice %arg5[%add3A_195] : memref<5000xi32, #tpu.memory_space<vmem>> -> memref<40xi32, #tpu.memory_space<vmem>>
      %dma_wait3A_200 = arith.constant 0 : i32
      %dma_wait3A_201 = arith.constant 0 : i32
      %dma_wait3A_202 = tpu.memref_slice %arg3[%dma_wait3A_200, %dma_wait3A_201] : memref<10000x256xf32, #tpu.memory_space<hbm>> -> memref<10000x256xf32, #tpu.memory_space<hbm>>
      tpu.wait_indirect_dma semaphore(%arg12 : memref<!tpu.dma_semaphore, #tpu.memory_space<semaphore_mem>>) src(%dma_wait3A_202 : memref<10000x256xf32, #tpu.memory_space<hbm>>) dst(%dma_wait3A_198 : memref<40x256xf32, #tpu.memory_space<vmem>>)
      %add3A_203 = arith.addi %mul3A_2, %mul3A_110 : i32
      %dma_start3A_204 = arith.constant 0 : i32
      %dma_start3A_205 = tpu.memref_slice %arg4[%add3A_203, %dma_start3A_204] : memref<160000x256xf32, #tpu.memory_space<hbm>> -> memref<200x256xf32, #tpu.memory_space<hbm>>
      %dma_start3A_206 = arith.constant 0 : i32
      %dma_start3A_207 = tpu.memref_slice %arg4[%add3A_203, %dma_start3A_206] : memref<160000x256xf32, #tpu.memory_space<hbm>> -> memref<200x256xf32, #tpu.memory_space<hbm>>
      tpu.enqueue_dma source(%arg6 : memref<200x256xf32, #tpu.memory_space<vmem>>) target(%dma_start3A_207 : memref<200x256xf32, #tpu.memory_space<hbm>>) target_semaphore(%arg18 : memref<!tpu.dma_semaphore, #tpu.memory_space<semaphore_mem>>)
      %mul3A_208 = arith.constant 2 : i32
      %mul3A_209 = arith.muli %mul3A_208, %scan3A_104 : i32
      %add3A_210 = arith.constant 1 : i32
      %add3A_211 = arith.addi %mul3A_209, %add3A_210 : i32
      %mul3A_212 = arith.constant 200 : i32
      %mul3A_213 = arith.muli %add3A_211, %mul3A_212 : i32
      %gt3A_214 = arith.constant 0 : i32
      %gt3A_215 = arith.cmpi sgt, %scan3A_104, %gt3A_214 : i32
      %convert_element_type3A_216 = arith.extui %gt3A_215 : i1 to i32
      %cond3A_217 = arith.constant 0 : i32
      %cond3A_218 = arith.cmpi ne, %convert_element_type3A_216, %cond3A_217 : i32
      scf.if %cond3A_218 {
        %dma_wait3A_314 = arith.constant 0 : i32
        %dma_wait3A_315 = tpu.memref_slice %arg4[%mul3A_2, %dma_wait3A_314] : memref<160000x256xf32, #tpu.memory_space<hbm>> -> memref<200x256xf32, #tpu.memory_space<hbm>>
        %dma_wait3A_316 = arith.constant 0 : i32
        %dma_wait3A_317 = tpu.memref_slice %arg4[%mul3A_2, %dma_wait3A_316] : memref<160000x256xf32, #tpu.memory_space<hbm>> -> memref<200x256xf32, #tpu.memory_space<hbm>>
        tpu.wait_dma2 semaphore(%arg19 : memref<!tpu.dma_semaphore, #tpu.memory_space<semaphore_mem>>) src(%arg7 : memref<200x256xf32, #tpu.memory_space<vmem>>) dst(%dma_wait3A_317 : memref<200x256xf32, #tpu.memory_space<hbm>>)
      } else {
      }
      %add3A_219 = arith.constant 0 : i32
      %add3A_220 = arith.addi %mul3A_213, %add3A_219 : i32
      %dma_start3A_221 = arith.constant 0 : i32
      %dma_start3A_222 = arith.constant 0 : i32
      %dma_start3A_223 = tpu.memref_slice %arg7[%dma_start3A_221, %dma_start3A_222] : memref<200x256xf32, #tpu.memory_space<vmem>> -> memref<40x256xf32, #tpu.memory_space<vmem>>
      %dma_start3A_224 = tpu.memref_slice %arg5[%add3A_220] : memref<5000xi32, #tpu.memory_space<vmem>> -> memref<40xi32, #tpu.memory_space<vmem>>
      %dma_start3A_225 = arith.constant 0 : i32
      %dma_start3A_226 = arith.constant 0 : i32
      %dma_start3A_227 = tpu.memref_slice %arg3[%dma_start3A_225, %dma_start3A_226] : memref<10000x256xf32, #tpu.memory_space<hbm>> -> memref<10000x256xf32, #tpu.memory_space<hbm>>
      tpu.enqueue_indirect_dma source(%dma_start3A_227 : memref<10000x256xf32, #tpu.memory_space<hbm>>) target(%dma_start3A_223 : memref<40x256xf32, #tpu.memory_space<vmem>>) offsets(%dma_start3A_224 : memref<40xi32, #tpu.memory_space<vmem>>) semaphore(%arg13 : memref<!tpu.dma_semaphore, #tpu.memory_space<semaphore_mem>>)
      %add3A_228 = arith.constant 40 : i32
      %add3A_229 = arith.addi %mul3A_213, %add3A_228 : i32
      %dma_start3A_230 = arith.constant 40 : i32
      %dma_start3A_231 = arith.constant 0 : i32
      %dma_start3A_232 = tpu.memref_slice %arg7[%dma_start3A_230, %dma_start3A_231] : memref<200x256xf32, #tpu.memory_space<vmem>> -> memref<40x256xf32, #tpu.memory_space<vmem>>
      %dma_start3A_233 = tpu.memref_slice %arg5[%add3A_229] : memref<5000xi32, #tpu.memory_space<vmem>> -> memref<40xi32, #tpu.memory_space<vmem>>
      %dma_start3A_234 = arith.constant 0 : i32
      %dma_start3A_235 = arith.constant 0 : i32
      %dma_start3A_236 = tpu.memref_slice %arg3[%dma_start3A_234, %dma_start3A_235] : memref<10000x256xf32, #tpu.memory_space<hbm>> -> memref<10000x256xf32, #tpu.memory_space<hbm>>
      tpu.enqueue_indirect_dma source(%dma_start3A_236 : memref<10000x256xf32, #tpu.memory_space<hbm>>) target(%dma_start3A_232 : memref<40x256xf32, #tpu.memory_space<vmem>>) offsets(%dma_start3A_233 : memref<40xi32, #tpu.memory_space<vmem>>) semaphore(%arg14 : memref<!tpu.dma_semaphore, #tpu.memory_space<semaphore_mem>>)
      %add3A_237 = arith.constant 80 : i32
      %add3A_238 = arith.addi %mul3A_213, %add3A_237 : i32
      %dma_start3A_239 = arith.constant 80 : i32
      %dma_start3A_240 = arith.constant 0 : i32
      %dma_start3A_241 = tpu.memref_slice %arg7[%dma_start3A_239, %dma_start3A_240] : memref<200x256xf32, #tpu.memory_space<vmem>> -> memref<40x256xf32, #tpu.memory_space<vmem>>
      %dma_start3A_242 = tpu.memref_slice %arg5[%add3A_238] : memref<5000xi32, #tpu.memory_space<vmem>> -> memref<40xi32, #tpu.memory_space<vmem>>
      %dma_start3A_243 = arith.constant 0 : i32
      %dma_start3A_244 = arith.constant 0 : i32
      %dma_start3A_245 = tpu.memref_slice %arg3[%dma_start3A_243, %dma_start3A_244] : memref<10000x256xf32, #tpu.memory_space<hbm>> -> memref<10000x256xf32, #tpu.memory_space<hbm>>
      tpu.enqueue_indirect_dma source(%dma_start3A_245 : memref<10000x256xf32, #tpu.memory_space<hbm>>) target(%dma_start3A_241 : memref<40x256xf32, #tpu.memory_space<vmem>>) offsets(%dma_start3A_242 : memref<40xi32, #tpu.memory_space<vmem>>) semaphore(%arg15 : memref<!tpu.dma_semaphore, #tpu.memory_space<semaphore_mem>>)
      %add3A_246 = arith.constant 120 : i32
      %add3A_247 = arith.addi %mul3A_213, %add3A_246 : i32
      %dma_start3A_248 = arith.constant 120 : i32
      %dma_start3A_249 = arith.constant 0 : i32
      %dma_start3A_250 = tpu.memref_slice %arg7[%dma_start3A_248, %dma_start3A_249] : memref<200x256xf32, #tpu.memory_space<vmem>> -> memref<40x256xf32, #tpu.memory_space<vmem>>
      %dma_start3A_251 = tpu.memref_slice %arg5[%add3A_247] : memref<5000xi32, #tpu.memory_space<vmem>> -> memref<40xi32, #tpu.memory_space<vmem>>
      %dma_start3A_252 = arith.constant 0 : i32
      %dma_start3A_253 = arith.constant 0 : i32
      %dma_start3A_254 = tpu.memref_slice %arg3[%dma_start3A_252, %dma_start3A_253] : memref<10000x256xf32, #tpu.memory_space<hbm>> -> memref<10000x256xf32, #tpu.memory_space<hbm>>
      tpu.enqueue_indirect_dma source(%dma_start3A_254 : memref<10000x256xf32, #tpu.memory_space<hbm>>) target(%dma_start3A_250 : memref<40x256xf32, #tpu.memory_space<vmem>>) offsets(%dma_start3A_251 : memref<40xi32, #tpu.memory_space<vmem>>) semaphore(%arg16 : memref<!tpu.dma_semaphore, #tpu.memory_space<semaphore_mem>>)
      %add3A_255 = arith.constant 160 : i32
      %add3A_256 = arith.addi %mul3A_213, %add3A_255 : i32
      %dma_start3A_257 = arith.constant 160 : i32
      %dma_start3A_258 = arith.constant 0 : i32
      %dma_start3A_259 = tpu.memref_slice %arg7[%dma_start3A_257, %dma_start3A_258] : memref<200x256xf32, #tpu.memory_space<vmem>> -> memref<40x256xf32, #tpu.memory_space<vmem>>
      %dma_start3A_260 = tpu.memref_slice %arg5[%add3A_256] : memref<5000xi32, #tpu.memory_space<vmem>> -> memref<40xi32, #tpu.memory_space<vmem>>
      %dma_start3A_261 = arith.constant 0 : i32
      %dma_start3A_262 = arith.constant 0 : i32
      %dma_start3A_263 = tpu.memref_slice %arg3[%dma_start3A_261, %dma_start3A_262] : memref<10000x256xf32, #tpu.memory_space<hbm>> -> memref<10000x256xf32, #tpu.memory_space<hbm>>
      tpu.enqueue_indirect_dma source(%dma_start3A_263 : memref<10000x256xf32, #tpu.memory_space<hbm>>) target(%dma_start3A_259 : memref<40x256xf32, #tpu.memory_space<vmem>>) offsets(%dma_start3A_260 : memref<40xi32, #tpu.memory_space<vmem>>) semaphore(%arg17 : memref<!tpu.dma_semaphore, #tpu.memory_space<semaphore_mem>>)
      %add3A_264 = arith.constant 0 : i32
      %add3A_265 = arith.addi %mul3A_213, %add3A_264 : i32
      %dma_wait3A_266 = arith.constant 0 : i32
      %dma_wait3A_267 = arith.constant 0 : i32
      %dma_wait3A_268 = tpu.memref_slice %arg7[%dma_wait3A_266, %dma_wait3A_267] : memref<200x256xf32, #tpu.memory_space<vmem>> -> memref<40x256xf32, #tpu.memory_space<vmem>>
      %dma_wait3A_269 = tpu.memref_slice %arg5[%add3A_265] : memref<5000xi32, #tpu.memory_space<vmem>> -> memref<40xi32, #tpu.memory_space<vmem>>
      %dma_wait3A_270 = arith.constant 0 : i32
      %dma_wait3A_271 = arith.constant 0 : i32
      %dma_wait3A_272 = tpu.memref_slice %arg3[%dma_wait3A_270, %dma_wait3A_271] : memref<10000x256xf32, #tpu.memory_space<hbm>> -> memref<10000x256xf32, #tpu.memory_space<hbm>>
      tpu.wait_indirect_dma semaphore(%arg13 : memref<!tpu.dma_semaphore, #tpu.memory_space<semaphore_mem>>) src(%dma_wait3A_272 : memref<10000x256xf32, #tpu.memory_space<hbm>>) dst(%dma_wait3A_268 : memref<40x256xf32, #tpu.memory_space<vmem>>)
      %add3A_273 = arith.constant 40 : i32
      %add3A_274 = arith.addi %mul3A_213, %add3A_273 : i32
      %dma_wait3A_275 = arith.constant 40 : i32
      %dma_wait3A_276 = arith.constant 0 : i32
      %dma_wait3A_277 = tpu.memref_slice %arg7[%dma_wait3A_275, %dma_wait3A_276] : memref<200x256xf32, #tpu.memory_space<vmem>> -> memref<40x256xf32, #tpu.memory_space<vmem>>
      %dma_wait3A_278 = tpu.memref_slice %arg5[%add3A_274] : memref<5000xi32, #tpu.memory_space<vmem>> -> memref<40xi32, #tpu.memory_space<vmem>>
      %dma_wait3A_279 = arith.constant 0 : i32
      %dma_wait3A_280 = arith.constant 0 : i32
      %dma_wait3A_281 = tpu.memref_slice %arg3[%dma_wait3A_279, %dma_wait3A_280] : memref<10000x256xf32, #tpu.memory_space<hbm>> -> memref<10000x256xf32, #tpu.memory_space<hbm>>
      tpu.wait_indirect_dma semaphore(%arg14 : memref<!tpu.dma_semaphore, #tpu.memory_space<semaphore_mem>>) src(%dma_wait3A_281 : memref<10000x256xf32, #tpu.memory_space<hbm>>) dst(%dma_wait3A_277 : memref<40x256xf32, #tpu.memory_space<vmem>>)
      %add3A_282 = arith.constant 80 : i32
      %add3A_283 = arith.addi %mul3A_213, %add3A_282 : i32
      %dma_wait3A_284 = arith.constant 80 : i32
      %dma_wait3A_285 = arith.constant 0 : i32
      %dma_wait3A_286 = tpu.memref_slice %arg7[%dma_wait3A_284, %dma_wait3A_285] : memref<200x256xf32, #tpu.memory_space<vmem>> -> memref<40x256xf32, #tpu.memory_space<vmem>>
      %dma_wait3A_287 = tpu.memref_slice %arg5[%add3A_283] : memref<5000xi32, #tpu.memory_space<vmem>> -> memref<40xi32, #tpu.memory_space<vmem>>
      %dma_wait3A_288 = arith.constant 0 : i32
      %dma_wait3A_289 = arith.constant 0 : i32
      %dma_wait3A_290 = tpu.memref_slice %arg3[%dma_wait3A_288, %dma_wait3A_289] : memref<10000x256xf32, #tpu.memory_space<hbm>> -> memref<10000x256xf32, #tpu.memory_space<hbm>>
      tpu.wait_indirect_dma semaphore(%arg15 : memref<!tpu.dma_semaphore, #tpu.memory_space<semaphore_mem>>) src(%dma_wait3A_290 : memref<10000x256xf32, #tpu.memory_space<hbm>>) dst(%dma_wait3A_286 : memref<40x256xf32, #tpu.memory_space<vmem>>)
      %add3A_291 = arith.constant 120 : i32
      %add3A_292 = arith.addi %mul3A_213, %add3A_291 : i32
      %dma_wait3A_293 = arith.constant 120 : i32
      %dma_wait3A_294 = arith.constant 0 : i32
      %dma_wait3A_295 = tpu.memref_slice %arg7[%dma_wait3A_293, %dma_wait3A_294] : memref<200x256xf32, #tpu.memory_space<vmem>> -> memref<40x256xf32, #tpu.memory_space<vmem>>
      %dma_wait3A_296 = tpu.memref_slice %arg5[%add3A_292] : memref<5000xi32, #tpu.memory_space<vmem>> -> memref<40xi32, #tpu.memory_space<vmem>>
      %dma_wait3A_297 = arith.constant 0 : i32
      %dma_wait3A_298 = arith.constant 0 : i32
      %dma_wait3A_299 = tpu.memref_slice %arg3[%dma_wait3A_297, %dma_wait3A_298] : memref<10000x256xf32, #tpu.memory_space<hbm>> -> memref<10000x256xf32, #tpu.memory_space<hbm>>
      tpu.wait_indirect_dma semaphore(%arg16 : memref<!tpu.dma_semaphore, #tpu.memory_space<semaphore_mem>>) src(%dma_wait3A_299 : memref<10000x256xf32, #tpu.memory_space<hbm>>) dst(%dma_wait3A_295 : memref<40x256xf32, #tpu.memory_space<vmem>>)
      %add3A_300 = arith.constant 160 : i32
      %add3A_301 = arith.addi %mul3A_213, %add3A_300 : i32
      %dma_wait3A_302 = arith.constant 160 : i32
      %dma_wait3A_303 = arith.constant 0 : i32
      %dma_wait3A_304 = tpu.memref_slice %arg7[%dma_wait3A_302, %dma_wait3A_303] : memref<200x256xf32, #tpu.memory_space<vmem>> -> memref<40x256xf32, #tpu.memory_space<vmem>>
      %dma_wait3A_305 = tpu.memref_slice %arg5[%add3A_301] : memref<5000xi32, #tpu.memory_space<vmem>> -> memref<40xi32, #tpu.memory_space<vmem>>
      %dma_wait3A_306 = arith.constant 0 : i32
      %dma_wait3A_307 = arith.constant 0 : i32
      %dma_wait3A_308 = tpu.memref_slice %arg3[%dma_wait3A_306, %dma_wait3A_307] : memref<10000x256xf32, #tpu.memory_space<hbm>> -> memref<10000x256xf32, #tpu.memory_space<hbm>>
      tpu.wait_indirect_dma semaphore(%arg17 : memref<!tpu.dma_semaphore, #tpu.memory_space<semaphore_mem>>) src(%dma_wait3A_308 : memref<10000x256xf32, #tpu.memory_space<hbm>>) dst(%dma_wait3A_304 : memref<40x256xf32, #tpu.memory_space<vmem>>)
      %add3A_309 = arith.addi %mul3A_2, %mul3A_213 : i32
      %dma_start3A_310 = arith.constant 0 : i32
      %dma_start3A_311 = tpu.memref_slice %arg4[%add3A_309, %dma_start3A_310] : memref<160000x256xf32, #tpu.memory_space<hbm>> -> memref<200x256xf32, #tpu.memory_space<hbm>>
      %dma_start3A_312 = arith.constant 0 : i32
      %dma_start3A_313 = tpu.memref_slice %arg4[%add3A_309, %dma_start3A_312] : memref<160000x256xf32, #tpu.memory_space<hbm>> -> memref<200x256xf32, #tpu.memory_space<hbm>>
      tpu.enqueue_dma source(%arg7 : memref<200x256xf32, #tpu.memory_space<vmem>>) target(%dma_start3A_313 : memref<200x256xf32, #tpu.memory_space<hbm>>) target_semaphore(%arg19 : memref<!tpu.dma_semaphore, #tpu.memory_space<semaphore_mem>>)
    }
    %scan3A_7 = arith.constant 12 : i32
    %dma_wait3A = arith.constant 0 : i32
    %dma_wait3A_8 = tpu.memref_slice %arg4[%mul3A_2, %dma_wait3A] : memref<160000x256xf32, #tpu.memory_space<hbm>> -> memref<200x256xf32, #tpu.memory_space<hbm>>
    %dma_wait3A_9 = arith.constant 0 : i32
    %dma_wait3A_10 = tpu.memref_slice %arg4[%mul3A_2, %dma_wait3A_9] : memref<160000x256xf32, #tpu.memory_space<hbm>> -> memref<200x256xf32, #tpu.memory_space<hbm>>
    tpu.wait_dma2 semaphore(%arg18 : memref<!tpu.dma_semaphore, #tpu.memory_space<semaphore_mem>>) src(%arg6 : memref<200x256xf32, #tpu.memory_space<vmem>>) dst(%dma_wait3A_10 : memref<200x256xf32, #tpu.memory_space<hbm>>)
    %dma_start3A = arith.constant 0 : i32
    %dma_start3A_11 = arith.constant 0 : i32
    %dma_start3A_12 = tpu.memref_slice %arg6[%dma_start3A, %dma_start3A_11] : memref<200x256xf32, #tpu.memory_space<vmem>> -> memref<40x256xf32, #tpu.memory_space<vmem>>
    %dma_start3A_13 = arith.constant 4800 : i32
    %dma_start3A_14 = tpu.memref_slice %arg5[%dma_start3A_13] : memref<5000xi32, #tpu.memory_space<vmem>> -> memref<40xi32, #tpu.memory_space<vmem>>
    %dma_start3A_15 = arith.constant 0 : i32
    %dma_start3A_16 = arith.constant 0 : i32
    %dma_start3A_17 = tpu.memref_slice %arg3[%dma_start3A_15, %dma_start3A_16] : memref<10000x256xf32, #tpu.memory_space<hbm>> -> memref<10000x256xf32, #tpu.memory_space<hbm>>
    tpu.enqueue_indirect_dma source(%dma_start3A_17 : memref<10000x256xf32, #tpu.memory_space<hbm>>) target(%dma_start3A_12 : memref<40x256xf32, #tpu.memory_space<vmem>>) offsets(%dma_start3A_14 : memref<40xi32, #tpu.memory_space<vmem>>) semaphore(%arg8 : memref<!tpu.dma_semaphore, #tpu.memory_space<semaphore_mem>>)
    %dma_start3A_18 = arith.constant 40 : i32
    %dma_start3A_19 = arith.constant 0 : i32
    %dma_start3A_20 = tpu.memref_slice %arg6[%dma_start3A_18, %dma_start3A_19] : memref<200x256xf32, #tpu.memory_space<vmem>> -> memref<40x256xf32, #tpu.memory_space<vmem>>
    %dma_start3A_21 = arith.constant 4840 : i32
    %dma_start3A_22 = tpu.memref_slice %arg5[%dma_start3A_21] : memref<5000xi32, #tpu.memory_space<vmem>> -> memref<40xi32, #tpu.memory_space<vmem>>
    %dma_start3A_23 = arith.constant 0 : i32
    %dma_start3A_24 = arith.constant 0 : i32
    %dma_start3A_25 = tpu.memref_slice %arg3[%dma_start3A_23, %dma_start3A_24] : memref<10000x256xf32, #tpu.memory_space<hbm>> -> memref<10000x256xf32, #tpu.memory_space<hbm>>
    tpu.enqueue_indirect_dma source(%dma_start3A_25 : memref<10000x256xf32, #tpu.memory_space<hbm>>) target(%dma_start3A_20 : memref<40x256xf32, #tpu.memory_space<vmem>>) offsets(%dma_start3A_22 : memref<40xi32, #tpu.memory_space<vmem>>) semaphore(%arg9 : memref<!tpu.dma_semaphore, #tpu.memory_space<semaphore_mem>>)
    %dma_start3A_26 = arith.constant 80 : i32
    %dma_start3A_27 = arith.constant 0 : i32
    %dma_start3A_28 = tpu.memref_slice %arg6[%dma_start3A_26, %dma_start3A_27] : memref<200x256xf32, #tpu.memory_space<vmem>> -> memref<40x256xf32, #tpu.memory_space<vmem>>
    %dma_start3A_29 = arith.constant 4880 : i32
    %dma_start3A_30 = tpu.memref_slice %arg5[%dma_start3A_29] : memref<5000xi32, #tpu.memory_space<vmem>> -> memref<40xi32, #tpu.memory_space<vmem>>
    %dma_start3A_31 = arith.constant 0 : i32
    %dma_start3A_32 = arith.constant 0 : i32
    %dma_start3A_33 = tpu.memref_slice %arg3[%dma_start3A_31, %dma_start3A_32] : memref<10000x256xf32, #tpu.memory_space<hbm>> -> memref<10000x256xf32, #tpu.memory_space<hbm>>
    tpu.enqueue_indirect_dma source(%dma_start3A_33 : memref<10000x256xf32, #tpu.memory_space<hbm>>) target(%dma_start3A_28 : memref<40x256xf32, #tpu.memory_space<vmem>>) offsets(%dma_start3A_30 : memref<40xi32, #tpu.memory_space<vmem>>) semaphore(%arg10 : memref<!tpu.dma_semaphore, #tpu.memory_space<semaphore_mem>>)
    %dma_start3A_34 = arith.constant 120 : i32
    %dma_start3A_35 = arith.constant 0 : i32
    %dma_start3A_36 = tpu.memref_slice %arg6[%dma_start3A_34, %dma_start3A_35] : memref<200x256xf32, #tpu.memory_space<vmem>> -> memref<40x256xf32, #tpu.memory_space<vmem>>
    %dma_start3A_37 = arith.constant 4920 : i32
    %dma_start3A_38 = tpu.memref_slice %arg5[%dma_start3A_37] : memref<5000xi32, #tpu.memory_space<vmem>> -> memref<40xi32, #tpu.memory_space<vmem>>
    %dma_start3A_39 = arith.constant 0 : i32
    %dma_start3A_40 = arith.constant 0 : i32
    %dma_start3A_41 = tpu.memref_slice %arg3[%dma_start3A_39, %dma_start3A_40] : memref<10000x256xf32, #tpu.memory_space<hbm>> -> memref<10000x256xf32, #tpu.memory_space<hbm>>
    tpu.enqueue_indirect_dma source(%dma_start3A_41 : memref<10000x256xf32, #tpu.memory_space<hbm>>) target(%dma_start3A_36 : memref<40x256xf32, #tpu.memory_space<vmem>>) offsets(%dma_start3A_38 : memref<40xi32, #tpu.memory_space<vmem>>) semaphore(%arg11 : memref<!tpu.dma_semaphore, #tpu.memory_space<semaphore_mem>>)
    %dma_start3A_42 = arith.constant 160 : i32
    %dma_start3A_43 = arith.constant 0 : i32
    %dma_start3A_44 = tpu.memref_slice %arg6[%dma_start3A_42, %dma_start3A_43] : memref<200x256xf32, #tpu.memory_space<vmem>> -> memref<40x256xf32, #tpu.memory_space<vmem>>
    %dma_start3A_45 = arith.constant 4960 : i32
    %dma_start3A_46 = tpu.memref_slice %arg5[%dma_start3A_45] : memref<5000xi32, #tpu.memory_space<vmem>> -> memref<40xi32, #tpu.memory_space<vmem>>
    %dma_start3A_47 = arith.constant 0 : i32
    %dma_start3A_48 = arith.constant 0 : i32
    %dma_start3A_49 = tpu.memref_slice %arg3[%dma_start3A_47, %dma_start3A_48] : memref<10000x256xf32, #tpu.memory_space<hbm>> -> memref<10000x256xf32, #tpu.memory_space<hbm>>
    tpu.enqueue_indirect_dma source(%dma_start3A_49 : memref<10000x256xf32, #tpu.memory_space<hbm>>) target(%dma_start3A_44 : memref<40x256xf32, #tpu.memory_space<vmem>>) offsets(%dma_start3A_46 : memref<40xi32, #tpu.memory_space<vmem>>) semaphore(%arg12 : memref<!tpu.dma_semaphore, #tpu.memory_space<semaphore_mem>>)
    %dma_wait3A_50 = arith.constant 0 : i32
    %dma_wait3A_51 = arith.constant 0 : i32
    %dma_wait3A_52 = tpu.memref_slice %arg6[%dma_wait3A_50, %dma_wait3A_51] : memref<200x256xf32, #tpu.memory_space<vmem>> -> memref<40x256xf32, #tpu.memory_space<vmem>>
    %dma_wait3A_53 = arith.constant 4800 : i32
    %dma_wait3A_54 = tpu.memref_slice %arg5[%dma_wait3A_53] : memref<5000xi32, #tpu.memory_space<vmem>> -> memref<40xi32, #tpu.memory_space<vmem>>
    %dma_wait3A_55 = arith.constant 0 : i32
    %dma_wait3A_56 = arith.constant 0 : i32
    %dma_wait3A_57 = tpu.memref_slice %arg3[%dma_wait3A_55, %dma_wait3A_56] : memref<10000x256xf32, #tpu.memory_space<hbm>> -> memref<10000x256xf32, #tpu.memory_space<hbm>>
    tpu.wait_indirect_dma semaphore(%arg8 : memref<!tpu.dma_semaphore, #tpu.memory_space<semaphore_mem>>) src(%dma_wait3A_57 : memref<10000x256xf32, #tpu.memory_space<hbm>>) dst(%dma_wait3A_52 : memref<40x256xf32, #tpu.memory_space<vmem>>)
    %dma_wait3A_58 = arith.constant 40 : i32
    %dma_wait3A_59 = arith.constant 0 : i32
    %dma_wait3A_60 = tpu.memref_slice %arg6[%dma_wait3A_58, %dma_wait3A_59] : memref<200x256xf32, #tpu.memory_space<vmem>> -> memref<40x256xf32, #tpu.memory_space<vmem>>
    %dma_wait3A_61 = arith.constant 4840 : i32
    %dma_wait3A_62 = tpu.memref_slice %arg5[%dma_wait3A_61] : memref<5000xi32, #tpu.memory_space<vmem>> -> memref<40xi32, #tpu.memory_space<vmem>>
    %dma_wait3A_63 = arith.constant 0 : i32
    %dma_wait3A_64 = arith.constant 0 : i32
    %dma_wait3A_65 = tpu.memref_slice %arg3[%dma_wait3A_63, %dma_wait3A_64] : memref<10000x256xf32, #tpu.memory_space<hbm>> -> memref<10000x256xf32, #tpu.memory_space<hbm>>
    tpu.wait_indirect_dma semaphore(%arg9 : memref<!tpu.dma_semaphore, #tpu.memory_space<semaphore_mem>>) src(%dma_wait3A_65 : memref<10000x256xf32, #tpu.memory_space<hbm>>) dst(%dma_wait3A_60 : memref<40x256xf32, #tpu.memory_space<vmem>>)
    %dma_wait3A_66 = arith.constant 80 : i32
    %dma_wait3A_67 = arith.constant 0 : i32
    %dma_wait3A_68 = tpu.memref_slice %arg6[%dma_wait3A_66, %dma_wait3A_67] : memref<200x256xf32, #tpu.memory_space<vmem>> -> memref<40x256xf32, #tpu.memory_space<vmem>>
    %dma_wait3A_69 = arith.constant 4880 : i32
    %dma_wait3A_70 = tpu.memref_slice %arg5[%dma_wait3A_69] : memref<5000xi32, #tpu.memory_space<vmem>> -> memref<40xi32, #tpu.memory_space<vmem>>
    %dma_wait3A_71 = arith.constant 0 : i32
    %dma_wait3A_72 = arith.constant 0 : i32
    %dma_wait3A_73 = tpu.memref_slice %arg3[%dma_wait3A_71, %dma_wait3A_72] : memref<10000x256xf32, #tpu.memory_space<hbm>> -> memref<10000x256xf32, #tpu.memory_space<hbm>>
    tpu.wait_indirect_dma semaphore(%arg10 : memref<!tpu.dma_semaphore, #tpu.memory_space<semaphore_mem>>) src(%dma_wait3A_73 : memref<10000x256xf32, #tpu.memory_space<hbm>>) dst(%dma_wait3A_68 : memref<40x256xf32, #tpu.memory_space<vmem>>)
    %dma_wait3A_74 = arith.constant 120 : i32
    %dma_wait3A_75 = arith.constant 0 : i32
    %dma_wait3A_76 = tpu.memref_slice %arg6[%dma_wait3A_74, %dma_wait3A_75] : memref<200x256xf32, #tpu.memory_space<vmem>> -> memref<40x256xf32, #tpu.memory_space<vmem>>
    %dma_wait3A_77 = arith.constant 4920 : i32
    %dma_wait3A_78 = tpu.memref_slice %arg5[%dma_wait3A_77] : memref<5000xi32, #tpu.memory_space<vmem>> -> memref<40xi32, #tpu.memory_space<vmem>>
    %dma_wait3A_79 = arith.constant 0 : i32
    %dma_wait3A_80 = arith.constant 0 : i32
    %dma_wait3A_81 = tpu.memref_slice %arg3[%dma_wait3A_79, %dma_wait3A_80] : memref<10000x256xf32, #tpu.memory_space<hbm>> -> memref<10000x256xf32, #tpu.memory_space<hbm>>
    tpu.wait_indirect_dma semaphore(%arg11 : memref<!tpu.dma_semaphore, #tpu.memory_space<semaphore_mem>>) src(%dma_wait3A_81 : memref<10000x256xf32, #tpu.memory_space<hbm>>) dst(%dma_wait3A_76 : memref<40x256xf32, #tpu.memory_space<vmem>>)
    %dma_wait3A_82 = arith.constant 160 : i32
    %dma_wait3A_83 = arith.constant 0 : i32
    %dma_wait3A_84 = tpu.memref_slice %arg6[%dma_wait3A_82, %dma_wait3A_83] : memref<200x256xf32, #tpu.memory_space<vmem>> -> memref<40x256xf32, #tpu.memory_space<vmem>>
    %dma_wait3A_85 = arith.constant 4960 : i32
    %dma_wait3A_86 = tpu.memref_slice %arg5[%dma_wait3A_85] : memref<5000xi32, #tpu.memory_space<vmem>> -> memref<40xi32, #tpu.memory_space<vmem>>
    %dma_wait3A_87 = arith.constant 0 : i32
    %dma_wait3A_88 = arith.constant 0 : i32
    %dma_wait3A_89 = tpu.memref_slice %arg3[%dma_wait3A_87, %dma_wait3A_88] : memref<10000x256xf32, #tpu.memory_space<hbm>> -> memref<10000x256xf32, #tpu.memory_space<hbm>>
    tpu.wait_indirect_dma semaphore(%arg12 : memref<!tpu.dma_semaphore, #tpu.memory_space<semaphore_mem>>) src(%dma_wait3A_89 : memref<10000x256xf32, #tpu.memory_space<hbm>>) dst(%dma_wait3A_84 : memref<40x256xf32, #tpu.memory_space<vmem>>)
    %add3A_90 = arith.constant 4800 : i32
    %add3A_91 = arith.addi %mul3A_2, %add3A_90 : i32
    %dma_start3A_92 = arith.constant 0 : i32
    %dma_start3A_93 = tpu.memref_slice %arg4[%add3A_91, %dma_start3A_92] : memref<160000x256xf32, #tpu.memory_space<hbm>> -> memref<200x256xf32, #tpu.memory_space<hbm>>
    %dma_start3A_94 = arith.constant 0 : i32
    %dma_start3A_95 = tpu.memref_slice %arg4[%add3A_91, %dma_start3A_94] : memref<160000x256xf32, #tpu.memory_space<hbm>> -> memref<200x256xf32, #tpu.memory_space<hbm>>
    tpu.enqueue_dma source(%arg6 : memref<200x256xf32, #tpu.memory_space<vmem>>) target(%dma_start3A_95 : memref<200x256xf32, #tpu.memory_space<hbm>>) target_semaphore(%arg18 : memref<!tpu.dma_semaphore, #tpu.memory_space<semaphore_mem>>)
    %dma_wait3A_96 = arith.constant 0 : i32
    %dma_wait3A_97 = tpu.memref_slice %arg4[%mul3A_2, %dma_wait3A_96] : memref<160000x256xf32, #tpu.memory_space<hbm>> -> memref<200x256xf32, #tpu.memory_space<hbm>>
    %dma_wait3A_98 = arith.constant 0 : i32
    %dma_wait3A_99 = tpu.memref_slice %arg4[%mul3A_2, %dma_wait3A_98] : memref<160000x256xf32, #tpu.memory_space<hbm>> -> memref<200x256xf32, #tpu.memory_space<hbm>>
    tpu.wait_dma2 semaphore(%arg18 : memref<!tpu.dma_semaphore, #tpu.memory_space<semaphore_mem>>) src(%arg6 : memref<200x256xf32, #tpu.memory_space<vmem>>) dst(%dma_wait3A_99 : memref<200x256xf32, #tpu.memory_space<hbm>>)
    %dma_wait3A_100 = arith.constant 0 : i32
    %dma_wait3A_101 = tpu.memref_slice %arg4[%mul3A_2, %dma_wait3A_100] : memref<160000x256xf32, #tpu.memory_space<hbm>> -> memref<200x256xf32, #tpu.memory_space<hbm>>
    %dma_wait3A_102 = arith.constant 0 : i32
    %dma_wait3A_103 = tpu.memref_slice %arg4[%mul3A_2, %dma_wait3A_102] : memref<160000x256xf32, #tpu.memory_space<hbm>> -> memref<200x256xf32, #tpu.memory_space<hbm>>
    tpu.wait_dma2 semaphore(%arg19 : memref<!tpu.dma_semaphore, #tpu.memory_space<semaphore_mem>>) src(%arg7 : memref<200x256xf32, #tpu.memory_space<vmem>>) dst(%dma_wait3A_103 : memref<200x256xf32, #tpu.memory_space<hbm>>)
    return
  }
}

</mosaic_0001>

<sc_bundles>
// kernel: kernel.3.cloned.1.call-start
scs
__scs_entry_jumppad:
0x0: {  	(pc) =	sbr.rel $0x88, $3  }
0x1: {  	(tag) =	ssettag $0x0;
	lr =	simm.s32 $0x1  }
0x2: {  	[smem:$0x3F9F] =	sst lr;
	_ =	strace $0xD0000000  }
0x3: {  	_ = 	snop  }
0x4: {  	_ = 	snop  }
0x5: {  	_ = 	snop  }
0x6: {  	_ = 	snop  }
0x7: {  	_ = 	snop  }
__scs_overlays_trampoline_lowered:
0x8: {  	[smem:$0x3FAE] =	sst s0  }
0x9: {  	[smem:$0x3FAF] =	sst s1  }
0xa: {  	[smem:$0x3FB0] =	sst s2  }
0xb: {  	[smem:$0x3FB1] =	sst s3  }
0xc: {  	[smem:$0x3FB2] =	sst s4  }
0xd: {  	[smem:$0x3FB3] =	sst s5  }
0xe: {  	[smem:$0x3FB4] =	sst s6  }
0xf: {  	[smem:$0x3FB5] =	sst s7  }
0x10: {  	[smem:$0x3FB6] =	sst s8  }
0x11: {  	[smem:$0x3FB7] =	sst s9;
	s0 =	simm.s32 @!p0 $0x0  }
0x12: {  	s1 =	sld [smem:$0x3F9D];
	s0 =	simm.s32 @p0 $0x1  }
0x13: {  	[smem:$0x3FB8] =	sst s0;
	s0 =	simm.s32 @!p1 $0x0  }
0x14: {  	s2 =	sld [smem:$0x3F9C];
	s0 =	simm.s32 @p1 $0x1  }
0x15: {  	[smem:$0x3FB9] =	sst s0;
	s0 =	simm.s32 @!p2 $0x0  }
0x16: {  	s3 =	sld [smem:$0x3FDB];
	s0 =	simm.s32 @p2 $0x1  }
0x17: {  	s4 =	simm.s32 $0x1BF5;
	[smem:$0x3FBB] =	sst s0  }
0x18: {  	s0 =	sld [smem:$0x3F9E];
	_ =	swait.ge [sflag:s4], $0x0  }
0x19: {  	s7 =	sld [smem:$0x3F9F]  }
0x1a: {  	s8 =	sadd.s32 $0xFFFFE003, lr  }
0x1b: {  	s9 =	sadd.s32 $0xFFFFFEF7, lr;
	s5 =	simm.s32 $0xFFFFFFFF;
	p2 =	slt.u32 s8, $0xFFFFF086  }
0x1c: {  	p1 =	slt.u32 s9, $0xF7A;
	s5 =	simm.s32 @!p2 $0x0  }
0x1d: {  	s5 =	simm.s32 @p1 $0x1;
	p0 =	seq.s32 s7, s2  }
0x1e: {  	s7 =	smul.u32 @!p0 $0xF7A, s2;
	p2 =	seq.s32 @!p0 s5, $0x0  }
0x1f: {  	s9 =	smul.u32 $0xF7A, s1;
	s8 =	simm.s32 @!p0 $0x1BF5;
	p2 =	por !p2, p0  }
0x20: {  	[sflag:s8] =	ssyncset.s32 @!p0 $0xFFFFF086;
	s6 =	sadd.s32 @!p0 s3, s7;
	s7 =	simm.s32 @!p0 $0x108  }
0x21: {  	s3 =	sadd.s32 s3, s9;
	s6 =	sadd.s32 @!p0 $0x88, s6;
	s7 =	simm.s32 @p2 $0x1082  }
0x22: {  	[simem:s7], [sflag:s8] =	dma.local @!p0 [hbm:s6], $0xF7A  }
0x23: {  	s9 =	sor.u32 $0xD0000000, s2;
	s6 =	simm.s32 $0x108;
	_ =	swait.ge @!p0 [sflag:s8], $0x0  }
0x24: {  	s3 =	sadd.s32 $0x88, s3;
	s6 =	simm.s32 @!p1 $0x1082;
	[sflag:s4] =	ssyncset.s32 $0xFFFFF086  }
0x25: {  	[simem:s6], [sflag:s4] =	dma.local [hbm:s3], $0xF7A  }
0x26: {  	[smem:$0x3F9F] =	sst s1;
	(tag) =	ssettag s2;
	_ =	strace s9  }
0x27: {  	s1 =	sld [smem:$0x3FAF]  }
0x28: {  	s2 =	sld [smem:$0x3FB0]  }
0x29: {  	s4 =	sld [smem:$0x3FB2]  }
0x2a: {  	p0 =	seq.s32 s5, $0x0;
	s5 =	sld [smem:$0x3FB3]  }
0x2b: {  	s6 =	sld [smem:$0x3FB4]  }
0x2c: {  	s7 =	sld [smem:$0x3FB5]  }
0x2d: {  	s3 =	simm.s32 $0x108;
	s8 =	sld [smem:$0x3FB6]  }
0x2e: {  	s3 =	simm.s32 @!p0 $0x1082;
	s9 =	sld [smem:$0x3FB7]  }
0x2f: {  	lr =	sadd.s32 s0, s3;
	s0 =	sld [smem:$0x3FAE]  }
0x30: {  	s3 =	sld [smem:$0x3FB1]  }
0x31: {  	[smem:$0x3FBA] =	sst s10  }
0x32: {  	s10 =	sld [smem:$0x3FB8];
	_ =	sdelay $0x3  }
0x33: {  	p0 =	seq.s32 s10, $0x1;
	s10 =	sld [smem:$0x3FBA];
	_ =	sdelay $0x3  }
0x34: {  	[smem:$0x3FBA] =	sst s10  }
0x35: {  	s10 =	sld [smem:$0x3FB9];
	_ =	sdelay $0x3  }
0x36: {  	p1 =	seq.s32 s10, $0x1;
	s10 =	sld [smem:$0x3FBA];
	_ =	sdelay $0x3  }
0x37: {  	[smem:$0x3FBA] =	sst s10  }
0x38: {  	s10 =	sld [smem:$0x3FBB]  }
0x39: {  	_ = 	snop;
	(pc) =	sbr.ind lr, $3  }
0x3a: {  	_ = 	snop  }
0x3b: {  	_ = 	snop  }
0x3c: {  	p2 =	seq.s32 s10, $0x1;
	s10 =	sld [smem:$0x3FBA]  }
0x3d: {  	_ =	shalt  }
0x3e: {  	_ =	shalt  }
0x3f: {  	_ =	shalt  }
0x40: {  	_ =	shalt  }
0x41: {  	_ =	shalt  }
0x42: {  	_ =	shalt  }
0x43: {  	_ =	shalt  }
0x44: {  	_ =	shalt  }
0x45: {  	_ =	shalt  }
0x46: {  	_ =	shalt  }
0x47: {  	_ =	shalt  }
0x48: {  	_ =	shalt  }
0x49: {  	_ =	shalt  }
0x4a: {  	_ =	shalt  }
0x4b: {  	_ =	shalt  }
0x4c: {  	_ =	shalt  }
0x4d: {  	_ =	shalt  }
0x4e: {  	_ =	shalt  }
0x4f: {  	_ =	shalt  }
0x50: {  	_ =	shalt  }
0x51: {  	_ =	shalt  }
0x52: {  	_ =	shalt  }
0x53: {  	_ =	shalt  }
0x54: {  	_ =	shalt  }
0x55: {  	_ =	shalt  }
0x56: {  	_ =	shalt  }
0x57: {  	_ =	shalt  }
0x58: {  	_ =	shalt  }
0x59: {  	_ =	shalt  }
0x5a: {  	_ =	shalt  }
0x5b: {  	_ =	shalt  }
0x5c: {  	_ =	shalt  }
0x5d: {  	_ =	shalt  }
0x5e: {  	_ =	shalt  }
0x5f: {  	_ =	shalt  }
0x60: {  	_ =	shalt  }
0x61: {  	_ =	shalt  }
0x62: {  	_ =	shalt  }
0x63: {  	_ =	shalt  }
0x64: {  	_ =	shalt  }
0x65: {  	_ =	shalt  }
0x66: {  	_ =	shalt  }
0x67: {  	_ =	shalt  }
0x68: {  	_ =	shalt  }
0x69: {  	_ =	shalt  }
0x6a: {  	_ =	shalt  }
0x6b: {  	_ =	shalt  }
0x6c: {  	_ =	shalt  }
0x6d: {  	_ =	shalt  }
0x6e: {  	_ =	shalt  }
0x6f: {  	_ =	shalt  }
0x70: {  	_ =	shalt  }
0x71: {  	_ =	shalt  }
0x72: {  	_ =	shalt  }
0x73: {  	_ =	shalt  }
0x74: {  	_ =	shalt  }
0x75: {  	_ =	shalt  }
0x76: {  	_ =	shalt  }
0x77: {  	_ =	shalt  }
0x78: {  	_ =	shalt  }
0x79: {  	_ =	shalt  }
0x7a: {  	_ =	shalt  }
0x7b: {  	_ =	shalt  }
0x7c: {  	_ =	shalt  }
0x7d: {  	_ =	shalt  }
0x7e: {  	_ =	shalt  }
0x7f: {  	_ =	shalt  }
0x80: {  	_ =	shalt  }
0x81: {  	_ =	shalt  }
0x82: {  	_ =	shalt  }
0x83: {  	_ =	shalt  }
0x84: {  	_ =	shalt  }
0x85: {  	_ =	shalt  }
0x86: {  	_ =	shalt  }
0x87: {  	_ =	shalt  }
.Lfunc_end0:
.L_simem_size_0:
called_computation_lowered:
.L_overlay_start_0:
0x88: {  	s2 =	sld [smem:$0x3FD9]  }
0x89: {  	s3 =	sld [smem:$0x3FFE];
	_ =	sdelay $0x1  }
0x8a: {  	s1 =	srdreg.scid  }
0x8b: {  	s0 =	sand.u32 $0x1, s1  }
0x8c: {  	s17 =	sshll.u32 s0, $0xA;
	s2 =	sadd.s32 s3, s2  }
0x8d: {  	s2 =	sadd.s32 s2, s17  }
0x8e: {  	[smem:$0x3FC6] =	sst s2  }
0x8f: {  	_ = 	snop  }
0x90: {  	s2 =	sld [smem:$0x3FC8]  }
0x91: {  	s18 =	sld [smem:$0x3FD0];
	(tm) =	ssettm $0x1  }
0x92: {  	s4 =	sld [smem:$0x3FFB];
	_ =	sdelay $0x3  }
0x93: {  	_ =	strace s4  }
0x94: {  	s4 =	sld [smem:$0x3FFC];
	_ =	sdelay $0x3  }
0x95: {  	_ =	strace s4  }
0x96: {  	s4 =	sld [smem:$0x3FFD];
	_ =	sdelay $0x3  }
0x97: {  	_ =	strace s4  }
0x98: {  	_ =	strace $0x8FFFFFFF  }
0x99: {  	s19 =	sld [smem:$0x3FDB];
	_ =	sdelay $0x1  }
0x9a: {  	s5 =	simm.s32 $_scs_section_size  }
0x9b: {  	s6 =	simm.s32 $_size__tile_overlayer_lowered;
	s7 =	simm.s32 $_tile_overlayer_lowered  }
0x9c: {  	s22 =	simm.s32 $0x1BFF;
	s21 =	sshll.u32 s7, $0x1;
	s4 =	sadd.s32 s5, s19  }
0x9d: {  	s8 =	simm.s32 $0x0;
	s20 =	sshll.u32 s6, $0x1;
	s6 =	sadd.s32 s21, s4  }
0x9e: {  	[timem:s8], [sflag:s22] =	dma.local [hbm:s6], s20  }
0x9f: {  	_ =	swait.ge [sflag:s22], s20  }
0xa0: {  	s5 =	ssub.s32 $0x0, s20;
	[sflag:s22] =	ssyncset.done $0x0  }
0xa1: {  	[sflag:s22] =	ssyncadd.s32 s5;
	_ =	sdelay $0x1  }
0xa2: {  	s23 =	simm.s32 $0x1B8B  }
0xa3: {  	_ =	swait.ge [sflag:s23], $0x1  }
0xa4: {  	[sflag:s23] =	ssyncset.done $0x0  }
0xa5: {  	s25 =	simm.s32 $0x1B8E;
	s24 =	sld [smem:$0x3FFE];
	[sflag:s23] =	ssyncadd.s32 $0xFFFFFFFF  }
0xa6: {  	s26 =	simm.s32 $execute0_lowered;
	[smem:$0x3FD2] =	sst s25  }
0xa7: {  	s6 =	sshll.u32 s26, $0x1;
	_ =	strace $0x80000046;
	[dreg:$0x1] =	wrdreg $0xFFFFFFFF  }
0xa8: {  	s28 =	simm.s32 $_size_execute0_lowered;
	s4 =	sadd.s32 s4, s6;
	[dreg:$0x0] =	wrdreg $0x0  }
0xa9: {  	s6 =	sshll.u32 s28, $0x1;
	[dreg:$0x2] =	wrdreg s4  }
0xaa: {  	[dreg:$0x3] =	wrdreg s6  }
0xab: {  	[dreg:$0x4] =	wrdreg $0xC0  }
0xac: {  	_ =	task [dreg:s8], $0x5FFFF  }
0xad: {  	[dreg:$0x1] =	wrdreg $0xFFFFFFFF  }
0xae: {  	[dreg:$0x0] =	wrdreg $0x60  }
0xaf: {  	[dreg:$0x2] =	wrdreg s24  }
0xb0: {  	[dreg:$0x3] =	wrdreg s2  }
0xb1: {  	[dreg:$0x4] =	wrdreg s18  }
0xb2: {  	[dreg:$0x5] =	wrdreg $0x9  }
0xb3: {  	_ =	task.clear_ibuf [dreg:s8], $0x6FFFF;
	_ =	strace $0x90000046  }
0xb4: {  	s29 =	simm.s32 $0x9;
	_ =	strace $0x80000048  }
0xb5: {  	_ =	swait.ge [sflag:s29], $0x1  }
0xb6: {  	[sflag:s29] =	ssyncadd.s32 $0xFFFFFFFF  }
0xb7: {  	_ =	strace $0x90000048  }
0xb8: {  	_ =	sfence  }
0xb9: {  	s30 =	sld [smem:$0x0];
	_ =	sdelay $0x2  }
0xba: {  	s31 =	sshll.u32 s1, $0xD;
	s1 =	sshrl.u32 s1, $0x2  }
0xbb: {  	s3 =	sand.u32 $0x4000, s31;
	s1 =	sadd.s32 s1, s30  }
0xbc: {  	s0 =	sor.u32 s3, s0;
	s1 =	sshll.u32 s1, $0x11  }
0xbd: {  	s0 =	sor.u32 s1, s0  }
0xbe: {  	s0 =	sadd.s32 $0x8F2B, s0  }
0xbf: {  	[sflag:s0] =	ssyncadd.remote.s32 $0x1  }
0xc0: {  	_ =	sfence.sel $0xFFFF  }
0xc1: {  	[dreg:$0x0] =	wrdreg $0xFFFFFFFF;
	(pc) =	sbr.abs _section_cstart, $3  }
0xc2: {  	[dreg:$0x1] =	wrdreg $0xFFFFFFFF  }
0xc3: {  	_ =	task.clear_ibuf [dreg:s8], $0x2FFFF;
	_ =	strace $0x9FFFFFFF  }
0xc4: {  	(tm) =	ssettm $0x7FFFFFFF  }
0xc5: {  	_ =	shalt  }
tec
execute0_lowered:
.L_overlay_start_1:
0x0: {  	(tag) =	ssettag $0x1  }
0x1: {  	s0 =	rddreg [dreg:$0x0]  }
0x2: {  	s1 =	rddreg [dreg:$0x1]  }
0x3: {  	s2 =	rddreg [dreg:$0x2];
	s3 =	simm.s32 $0x0  }
0x4: {  	s4 =	srdreg.scid;
	s21 =	simm.s32 $0xE400;
	[smem:$0x7FF] =	sst s3  }
0x5: {  	s22 =	simm.s32 $0xEC00;
	_ =	strace $0x80000047;
	[dreg:$0x5] =	wrdreg s21  }
0x6: {  	s6 =	stileid.u32;
	s23 =	simm.s32 $0xF400;
	[dreg:$0x6] =	wrdreg s22  }
0x7: {  	s25 =	simm.s32 $0xFC00;
	s26 =	simm.s32 $0x10400;
	[dreg:$0x7] =	wrdreg s23  }
0x8: {  	s19 =	simm.s32 $0x1C00;
	s10 =	simm.s32 $0x12C00;
	[dreg:$0x8] =	wrdreg s25  }
0x9: {  	s11 =	simm.s32 $0x13400;
	s12 =	simm.s32 $0x13C00;
	[dreg:$0x9] =	wrdreg s26  }
0xa: {  	s13 =	simm.s32 $0x14400;
	s14 =	simm.s32 $0x14C00;
	[dreg:$0xe] =	wrdreg s10  }
0xb: {  	s15 =	simm.s32 $0x15400;
	s16 =	simm.s32 $0x15C00;
	[dreg:$0xf] =	wrdreg s11  }
0xc: {  	s17 =	simm.s32 $0x16400;
	s18 =	simm.s32 $0x16C00;
	[dreg:$0x10] =	wrdreg s12  }
0xd: {  	s28 =	simm.s32 $0x5C00;
	s29 =	simm.s32 $0x6400;
	[dreg:$0x11] =	wrdreg s13  }
0xe: {  	s30 =	simm.s32 $0x6C00;
	s31 =	simm.s32 $0x7400;
	[dreg:$0x12] =	wrdreg s14  }
0xf: {  	s4 =	sand.u32 $0x1, s4;
	s5 =	sshll.u32 s6, $0x1;
	[dreg:$0x13] =	wrdreg s15  }
0x10: {  	s6 =	smul.u32 $0x4E200, s6;
	s7 =	ssub.s32 $0x2, s4;
	[dreg:$0x14] =	wrdreg s16  }
0x11: {  	s5 =	sor.u32 s4, s5;
	s4 =	smul.u32 $0x27100, s4;
	[dreg:$0x15] =	wrdreg s17  }
0x12: {  	[dreg:$0x16] =	wrdreg s18;
	s21 =	simm.s32 $0x17400;
	s22 =	simm.s32 $0x17C00  }
0x13: {  	s23 =	simm.s32 $0x18400;
	s25 =	simm.s32 $0x19400;
	s26 =	simm.s32 $0x19C00  }
0x14: {  	s10 =	simm.s32 $0xDC00;
	s11 =	simm.s32 $0x6;
	[dreg:$0x17] =	wrdreg s21  }
0x15: {  	s12 =	simm.s32 $0x7;
	s13 =	simm.s32 $0x8;
	[dreg:$0x18] =	wrdreg s22  }
0x16: {  	s14 =	simm.s32 $0x9;
	s15 =	simm.s32 $0xA;
	[dreg:$0x19] =	wrdreg s23  }
0x17: {  	s8 =	sshrl.u32 s7, $0x1;
	s9 =	smul.u32 $0x1388, s5;
	[dreg:$0x1b] =	wrdreg s25  }
0x18: {  	s6 =	sadd.s32 s6, s2;
	s5 =	smul.u32 $0x138800, s5;
	[dreg:$0x1c] =	wrdreg s26  }
0x19: {  	s21 =	simm.s32 $0x2C00;
	s22 =	simm.s32 $0x3400;
	s23 =	simm.s32 $0x3C00  }
0x1a: {  	s25 =	simm.s32 $0x4C00;
	s26 =	simm.s32 $0x5400;
	s4 =	sadd.s32 s4, s6  }
0x1b: {  	s7 =	ssub.s32 s7, s8;
	s6 =	simm.s32 $0x11400;
	[dreg:$0x4] =	wrdreg s4  }
0x1c: {  	s24 =	sshrl.u32 s5, $0x3;
	s5 =	smax.u32 s7, $0x1;
	[dreg:$0xb] =	wrdreg s6  }
0x1d: {  	s8 =	simm.s32 $0x1400;
	s4 =	simm.s32 $0x10C00;
	[dreg:$0x1f] =	wrdreg s5  }
0x1e: {  	s20 =	sshrl.u32 s9, $0x3;
	s7 =	simm.s32 $0x11C00;
	[dreg:$0xa] =	wrdreg s4  }
0x1f: {  	s9 =	simm.s32 $0x12400;
	s6 =	simm.s32 $0x3;
	[dreg:$0xc] =	wrdreg s7  }
0x20: {  	s0 =	sadd.s32 s0, s20;
	s2 =	sadd.s32 s2, s24;
	[dreg:$0xd] =	wrdreg s9  }
0x21: {  	s20 =	simm.s32 $0x2400;
	s24 =	simm.s32 $0x18C00;
	s4 =	simm.s32 $0x1  }
0x22: {  	v2 =	vlaneseq.u32;
	s5 =	simm.s32 $0x2;
	s7 =	simm.s32 $0x4;
	[dreg:$0x1d] =	wrdreg s0  }
0x23: {  	vm0 =	vmmov $0xffff;
	v1 =	vshrl.u32 v2, $0x3;
	s9 =	simm.s32 $0x5;
	s2 =	sadd.s32 $0x25800, s2;
	[dreg:$0x1a] =	wrdreg s24  }
0x24: {  	v0 =	vand.u32 $0x7, v2;
	v2 =	vor.u32 $0x8, v2;
	v1 =	vmul.u32 $0x8, v1;
	s24 =	simm.s32 $0x4400;
	[dreg:$0x1e] =	wrdreg s2;
	s2 =	simm.s32 $0x0  }
.LBB2_1:
0x25: {  	[smem:$0x7FD] =	sst s2  }
0x26: {  	s16 =	rddreg [dreg:$0x1d];
	s18 =	simm.s32 $0xD  }
0x27: {  	[tilespmem:s3], [sflag:$0xD] =	stream.linear.gather [hbm4b:s16+s3], $0x1388, $0x38;
	[tilespmem:$0x1A400] =	vst v63  }
0x28: {  	_ =	swait.ge [sflag:s18], $0x1388  }
0x29: {  	s0 =	simm.s32 $0x7C00;
	s2 =	simm.s32 $0x8400;
	[sflag:s18] =	ssyncset.done $0x0  }
0x2a: {  	s17 =	simm.s32 $0x0;
	s16 =	simm.s32 $0xC8;
	[sflag:s18] =	ssyncadd.s32 $0xFFFFEC78  }
.LBB2_2:
0x2b: {  	p0 =	seq.s32 s17, $0x0  }
0x2c: {  	s18 =	simm.s32 @!p0 $0xB  }
0x2d: {  	_ =	swait.ge @!p0 [sflag:s18], $0xC800  }
0x2e: {  	[sflag:s18] =	ssyncset.done @!p0 $0x0  }
0x2f: {  	[sflag:s18] =	ssyncadd.s32 @!p0 $0xFFFF3800  }
0x30: {  	v3 =	vld [tilespmem:s16+$0xFFFFFF38];
	_ =	sdelay $0x4  }
0x31: {  	v4 =	vshll.u32 v3, $0x1  }
0x32: {  	v3 =	vand.u32 $0x7, v3;
	v4 =	vand.u32 $0xFFFFFFF0, v4  }
0x33: {  	v3 =	vor.u32 v3, v4  }
0x34: {  	v4 =	vperm.xlane v3, v0;
	_ =	sdelay $0x1  }
0x35: {  	v3 =	vperm.xlane v3, v2;
	v4 =	vadd.s32 v1, v4;
	_ =	sdelay $0x1  }
0x36: {  	v3 =	vadd.s32 v1, v3;
	_ =	sdelay $0x2  }
0x37: {  	[tilespmem:s8], [sflag:$0x1] =	stream.indirect_vreg.gather [hbm4b:s1+s3], $0x80, v4, vm0, $0xb8;
	[tilespmem:$0x1A400] =	vst v63  }
0x38: {  	_ = 	snop  }
0x39: {  	[tilespmem:s19], [sflag:$0x1] =	stream.indirect_vreg.gather [hbm4b:s1+s3], $0x80, v3, vm0, $0xb8;
	[tilespmem:$0x1A400] =	vst v63  }
0x3a: {  	v3 =	vld [tilespmem:s16+$0xFFFFFF48];
	_ =	sdelay $0x4  }
0x3b: {  	v35 =	vshll.u32 v3, $0x1  }
0x3c: {  	v3 =	vand.u32 $0x7, v3;
	v4 =	vand.u32 $0xFFFFFFF0, v35  }
0x3d: {  	v3 =	vor.u32 v3, v4  }
0x3e: {  	v4 =	vperm.xlane v3, v0;
	_ =	sdelay $0x1  }
0x3f: {  	v3 =	vperm.xlane v3, v2;
	v4 =	vadd.s32 v1, v4;
	_ =	sdelay $0x1  }
0x40: {  	v3 =	vadd.s32 v1, v3;
	_ =	sdelay $0x2  }
0x41: {  	[tilespmem:s20], [sflag:$0x1] =	stream.indirect_vreg.gather [hbm4b:s1+s3], $0x80, v4, vm0, $0xb8;
	[tilespmem:$0x1A400] =	vst v63  }
0x42: {  	_ = 	snop  }
0x43: {  	[tilespmem:s21], [sflag:$0x1] =	stream.indirect_vreg.gather [hbm4b:s1+s3], $0x80, v3, vm0, $0xb8;
	[tilespmem:$0x1A400] =	vst v63  }
0x44: {  	v3 =	vld.msk [tilespmem:s16+$0xFFFFFF58], $0xff;
	_ =	sdelay $0x4  }
0x45: {  	v36 =	vshll.u32 v3, $0x1  }
0x46: {  	v3 =	vand.u32 $0x7, v3;
	v4 =	vand.u32 $0xFFFFFFF0, v36  }
0x47: {  	v3 =	vor.u32 v3, v4  }
0x48: {  	v3 =	vperm.xlane v3, v0;
	_ =	sdelay $0x1  }
0x49: {  	v3 =	vadd.s32 v1, v3;
	_ =	sdelay $0x4  }
0x4a: {  	[tilespmem:s22], [sflag:$0x1] =	stream.indirect_vreg.gather [hbm4b:s1+s3], $0x80, v3, vm0, $0xb8;
	[tilespmem:$0x1A400] =	vst v63  }
0x4b: {  	v3 =	vld [tilespmem:s16+$0xFFFFFF60];
	_ =	sdelay $0x4  }
0x4c: {  	v37 =	vshll.u32 v3, $0x1  }
0x4d: {  	v3 =	vand.u32 $0x7, v3;
	v4 =	vand.u32 $0xFFFFFFF0, v37  }
0x4e: {  	v3 =	vor.u32 v3, v4  }
0x4f: {  	v4 =	vperm.xlane v3, v0;
	_ =	sdelay $0x1  }
0x50: {  	v3 =	vperm.xlane v3, v2;
	v4 =	vadd.s32 v1, v4;
	_ =	sdelay $0x1  }
0x51: {  	v3 =	vadd.s32 v1, v3;
	_ =	sdelay $0x2  }
0x52: {  	[tilespmem:s23], [sflag:$0x2] =	stream.indirect_vreg.gather [hbm4b:s1+s3], $0x80, v4, vm0, $0xb8;
	[tilespmem:$0x1A400] =	vst v63  }
0x53: {  	_ = 	snop  }
0x54: {  	[tilespmem:s24], [sflag:$0x2] =	stream.indirect_vreg.gather [hbm4b:s1+s3], $0x80, v3, vm0, $0xb8;
	[tilespmem:$0x1A400] =	vst v63  }
0x55: {  	v3 =	vld [tilespmem:s16+$0xFFFFFF70];
	_ =	sdelay $0x4  }
0x56: {  	v38 =	vshll.u32 v3, $0x1  }
0x57: {  	v3 =	vand.u32 $0x7, v3;
	v4 =	vand.u32 $0xFFFFFFF0, v38  }
0x58: {  	v3 =	vor.u32 v3, v4  }
0x59: {  	v4 =	vperm.xlane v3, v0;
	_ =	sdelay $0x1  }
0x5a: {  	v3 =	vperm.xlane v3, v2;
	v4 =	vadd.s32 v1, v4;
	_ =	sdelay $0x1  }
0x5b: {  	v3 =	vadd.s32 v1, v3;
	_ =	sdelay $0x2  }
0x5c: {  	[tilespmem:s25], [sflag:$0x2] =	stream.indirect_vreg.gather [hbm4b:s1+s3], $0x80, v4, vm0, $0xb8;
	[tilespmem:$0x1A400] =	vst v63  }
0x5d: {  	_ = 	snop  }
0x5e: {  	[tilespmem:s26], [sflag:$0x2] =	stream.indirect_vreg.gather [hbm4b:s1+s3], $0x80, v3, vm0, $0xb8;
	[tilespmem:$0x1A400] =	vst v63  }
0x5f: {  	v3 =	vld.msk [tilespmem:s16+$0xFFFFFF80], $0xff;
	_ =	sdelay $0x4  }
0x60: {  	v39 =	vshll.u32 v3, $0x1  }
0x61: {  	v3 =	vand.u32 $0x7, v3;
	v4 =	vand.u32 $0xFFFFFFF0, v39  }
0x62: {  	v3 =	vor.u32 v3, v4  }
0x63: {  	v3 =	vperm.xlane v3, v0;
	_ =	sdelay $0x1  }
0x64: {  	v3 =	vadd.s32 v1, v3;
	_ =	sdelay $0x4  }
0x65: {  	[tilespmem:s28], [sflag:$0x2] =	stream.indirect_vreg.gather [hbm4b:s1+s3], $0x80, v3, vm0, $0xb8;
	[tilespmem:$0x1A400] =	vst v63  }
0x66: {  	v3 =	vld [tilespmem:s16+$0xFFFFFF88];
	_ =	sdelay $0x4  }
0x67: {  	v40 =	vshll.u32 v3, $0x1  }
0x68: {  	v3 =	vand.u32 $0x7, v3;
	v4 =	vand.u32 $0xFFFFFFF0, v40  }
0x69: {  	v3 =	vor.u32 v3, v4  }
0x6a: {  	v4 =	vperm.xlane v3, v0;
	_ =	sdelay $0x1  }
0x6b: {  	v3 =	vperm.xlane v3, v2;
	v4 =	vadd.s32 v1, v4;
	_ =	sdelay $0x1  }
0x6c: {  	v3 =	vadd.s32 v1, v3;
	_ =	sdelay $0x2  }
0x6d: {  	[tilespmem:s29], [sflag:$0x3] =	stream.indirect_vreg.gather [hbm4b:s1+s3], $0x80, v4, vm0, $0xb8;
	[tilespmem:$0x1A400] =	vst v63  }
0x6e: {  	_ = 	snop  }
0x6f: {  	[tilespmem:s30], [sflag:$0x3] =	stream.indirect_vreg.gather [hbm4b:s1+s3], $0x80, v3, vm0, $0xb8;
	[tilespmem:$0x1A400] =	vst v63  }
0x70: {  	v3 =	vld [tilespmem:s16+$0xFFFFFF98];
	_ =	sdelay $0x4  }
0x71: {  	v41 =	vshll.u32 v3, $0x1  }
0x72: {  	v3 =	vand.u32 $0x7, v3;
	v4 =	vand.u32 $0xFFFFFFF0, v41  }
0x73: {  	v3 =	vor.u32 v3, v4  }
0x74: {  	v4 =	vperm.xlane v3, v0;
	_ =	sdelay $0x1  }
0x75: {  	v3 =	vperm.xlane v3, v2;
	v4 =	vadd.s32 v1, v4;
	_ =	sdelay $0x1  }
0x76: {  	v3 =	vadd.s32 v1, v3;
	_ =	sdelay $0x2  }
0x77: {  	[tilespmem:s31], [sflag:$0x3] =	stream.indirect_vreg.gather [hbm4b:s1+s3], $0x80, v4, vm0, $0xb8;
	[tilespmem:$0x1A400] =	vst v63  }
0x78: {  	_ = 	snop  }
0x79: {  	[tilespmem:s0], [sflag:$0x3] =	stream.indirect_vreg.gather [hbm4b:s1+s3], $0x80, v3, vm0, $0xb8;
	[tilespmem:$0x1A400] =	vst v63  }
0x7a: {  	v3 =	vld.msk [tilespmem:s16+$0xFFFFFFA8], $0xff;
	_ =	sdelay $0x4  }
0x7b: {  	v42 =	vshll.u32 v3, $0x1  }
0x7c: {  	v3 =	vand.u32 $0x7, v3;
	v4 =	vand.u32 $0xFFFFFFF0, v42  }
0x7d: {  	v3 =	vor.u32 v3, v4  }
0x7e: {  	v3 =	vperm.xlane v3, v0;
	_ =	sdelay $0x1  }
0x7f: {  	v3 =	vadd.s32 v1, v3;
	_ =	sdelay $0x4  }
0x80: {  	[tilespmem:s2], [sflag:$0x3] =	stream.indirect_vreg.gather [hbm4b:s1+s3], $0x80, v3, vm0, $0xb8;
	[tilespmem:$0x1A400] =	vst v63  }
0x81: {  	v3 =	vld [tilespmem:s16+$0xFFFFFFB0];
	_ =	sdelay $0x4  }
0x82: {  	v43 =	vshll.u32 v3, $0x1  }
0x83: {  	v3 =	vand.u32 $0x7, v3;
	v4 =	vand.u32 $0xFFFFFFF0, v43  }
0x84: {  	v3 =	vor.u32 v3, v4  }
0x85: {  	v4 =	vperm.xlane v3, v0;
	_ =	sdelay $0x1  }
0x86: {  	v3 =	vperm.xlane v3, v2;
	v4 =	vadd.s32 v1, v4;
	_ =	sdelay $0x1  }
0x87: {  	v3 =	vadd.s32 v1, v3;
	_ =	sdelay $0x1  }
0x88: {  	s19 =	simm.s32 $0x8C00  }
0x89: {  	[tilespmem:s19], [sflag:$0x4] =	stream.indirect_vreg.gather [hbm4b:s1+s3], $0x80, v4, vm0, $0xb8;
	[tilespmem:$0x1A400] =	vst v63  }
0x8a: {  	s20 =	simm.s32 $0x9400  }
0x8b: {  	[tilespmem:s20], [sflag:$0x4] =	stream.indirect_vreg.gather [hbm4b:s1+s3], $0x80, v3, vm0, $0xb8;
	[tilespmem:$0x1A400] =	vst v63  }
0x8c: {  	v3 =	vld [tilespmem:s16+$0xFFFFFFC0];
	_ =	sdelay $0x4  }
0x8d: {  	v44 =	vshll.u32 v3, $0x1  }
0x8e: {  	v3 =	vand.u32 $0x7, v3;
	v4 =	vand.u32 $0xFFFFFFF0, v44  }
0x8f: {  	v3 =	vor.u32 v3, v4  }
0x90: {  	v4 =	vperm.xlane v3, v0;
	_ =	sdelay $0x1  }
0x91: {  	v3 =	vperm.xlane v3, v2;
	v4 =	vadd.s32 v1, v4;
	_ =	sdelay $0x1  }
0x92: {  	v3 =	vadd.s32 v1, v3;
	_ =	sdelay $0x1  }
0x93: {  	s19 =	simm.s32 $0x9C00  }
0x94: {  	[tilespmem:s19], [sflag:$0x4] =	stream.indirect_vreg.gather [hbm4b:s1+s3], $0x80, v4, vm0, $0xb8;
	[tilespmem:$0x1A400] =	vst v63  }
0x95: {  	s20 =	simm.s32 $0xA400  }
0x96: {  	[tilespmem:s20], [sflag:$0x4] =	stream.indirect_vreg.gather [hbm4b:s1+s3], $0x80, v3, vm0, $0xb8;
	[tilespmem:$0x1A400] =	vst v63  }
0x97: {  	v3 =	vld.msk [tilespmem:s16+$0xFFFFFFD0], $0xff;
	_ =	sdelay $0x4  }
0x98: {  	v45 =	vshll.u32 v3, $0x1  }
0x99: {  	v3 =	vand.u32 $0x7, v3;
	v4 =	vand.u32 $0xFFFFFFF0, v45  }
0x9a: {  	v3 =	vor.u32 v3, v4  }
0x9b: {  	v3 =	vperm.xlane v3, v0;
	_ =	sdelay $0x1  }
0x9c: {  	v3 =	vadd.s32 v1, v3;
	_ =	sdelay $0x3  }
0x9d: {  	s19 =	simm.s32 $0xAC00  }
0x9e: {  	[tilespmem:s19], [sflag:$0x4] =	stream.indirect_vreg.gather [hbm4b:s1+s3], $0x80, v3, vm0, $0xb8;
	[tilespmem:$0x1A400] =	vst v63  }
0x9f: {  	v3 =	vld [tilespmem:s16+$0xFFFFFFD8];
	_ =	sdelay $0x4  }
0xa0: {  	v46 =	vshll.u32 v3, $0x1  }
0xa1: {  	v3 =	vand.u32 $0x7, v3;
	v4 =	vand.u32 $0xFFFFFFF0, v46  }
0xa2: {  	v3 =	vor.u32 v3, v4  }
0xa3: {  	v4 =	vperm.xlane v3, v0;
	_ =	sdelay $0x1  }
0xa4: {  	v3 =	vperm.xlane v3, v2;
	v4 =	vadd.s32 v1, v4;
	_ =	sdelay $0x1  }
0xa5: {  	v3 =	vadd.s32 v1, v3;
	_ =	sdelay $0x1  }
0xa6: {  	s20 =	simm.s32 $0xB400  }
0xa7: {  	[tilespmem:s20], [sflag:$0x5] =	stream.indirect_vreg.gather [hbm4b:s1+s3], $0x80, v4, vm0, $0xb8;
	[tilespmem:$0x1A400] =	vst v63  }
0xa8: {  	s19 =	simm.s32 $0xBC00  }
0xa9: {  	[tilespmem:s19], [sflag:$0x5] =	stream.indirect_vreg.gather [hbm4b:s1+s3], $0x80, v3, vm0, $0xb8;
	[tilespmem:$0x1A400] =	vst v63  }
0xaa: {  	v3 =	vld [tilespmem:s16+$0xFFFFFFE8];
	_ =	sdelay $0x4  }
0xab: {  	v47 =	vshll.u32 v3, $0x1  }
0xac: {  	v3 =	vand.u32 $0x7, v3;
	v4 =	vand.u32 $0xFFFFFFF0, v47  }
0xad: {  	v3 =	vor.u32 v3, v4  }
0xae: {  	v4 =	vperm.xlane v3, v0;
	_ =	sdelay $0x1  }
0xaf: {  	v3 =	vperm.xlane v3, v2;
	v4 =	vadd.s32 v1, v4;
	_ =	sdelay $0x1  }
0xb0: {  	v3 =	vadd.s32 v1, v3;
	_ =	sdelay $0x1  }
0xb1: {  	s20 =	simm.s32 $0xC400  }
0xb2: {  	[tilespmem:s20], [sflag:$0x5] =	stream.indirect_vreg.gather [hbm4b:s1+s3], $0x80, v4, vm0, $0xb8;
	[tilespmem:$0x1A400] =	vst v63  }
0xb3: {  	s19 =	simm.s32 $0xCC00  }
0xb4: {  	[tilespmem:s19], [sflag:$0x5] =	stream.indirect_vreg.gather [hbm4b:s1+s3], $0x80, v3, vm0, $0xb8;
	[tilespmem:$0x1A400] =	vst v63  }
0xb5: {  	v3 =	vld.msk [tilespmem:s16+$0xFFFFFFF8], $0xff;
	_ =	sdelay $0x4  }
0xb6: {  	v48 =	vshll.u32 v3, $0x1  }
0xb7: {  	v3 =	vand.u32 $0x7, v3;
	v4 =	vand.u32 $0xFFFFFFF0, v48  }
0xb8: {  	v3 =	vor.u32 v3, v4  }
0xb9: {  	v3 =	vperm.xlane v3, v0;
	_ =	sdelay $0x1  }
0xba: {  	v3 =	vadd.s32 v1, v3;
	_ =	sdelay $0x3  }
0xbb: {  	s20 =	simm.s32 $0xD400  }
0xbc: {  	[tilespmem:s20], [sflag:$0x5] =	stream.indirect_vreg.gather [hbm4b:s1+s3], $0x80, v3, vm0, $0xb8;
	[tilespmem:$0x1A400] =	vst v63  }
0xbd: {  	_ =	swait.ge [sflag:s4], $0x2800  }
0xbe: {  	[sflag:s4] =	ssyncset.done $0x0  }
0xbf: {  	[sflag:s4] =	ssyncadd.s32 $0xFFFFD800  }
0xc0: {  	_ =	swait.ge [sflag:s5], $0x2800  }
0xc1: {  	[sflag:s5] =	ssyncset.done $0x0  }
0xc2: {  	[sflag:s5] =	ssyncadd.s32 $0xFFFFD800  }
0xc3: {  	_ =	swait.ge [sflag:s6], $0x2800  }
0xc4: {  	[sflag:s6] =	ssyncset.done $0x0  }
0xc5: {  	[sflag:s6] =	ssyncadd.s32 $0xFFFFD800  }
0xc6: {  	_ =	swait.ge [sflag:s7], $0x2800  }
0xc7: {  	[sflag:s7] =	ssyncset.done $0x0  }
0xc8: {  	[sflag:s7] =	ssyncadd.s32 $0xFFFFD800  }
0xc9: {  	_ =	swait.ge [sflag:s9], $0x2800  }
0xca: {  	s19 =	rddreg [dreg:$0x4];
	[sflag:s9] =	ssyncset.done $0x0  }
0xcb: {  	[sflag:s9] =	ssyncadd.s32 $0xFFFFD800;
	s18 =	sadd.s32 s17, s19;
	s19 =	simm.s32 @!p0 $0xC  }
0xcc: {  	[hbm4b:s18+s3] =	stream.linear.scatter [tilespmem:s8], [sflag:$0xB], $0xC800, $0x38;
	[tilespmem:$0x1A400] =	vst v63  }
0xcd: {  	_ =	swait.ge @!p0 [sflag:s19], $0xC800  }
0xce: {  	[sflag:s19] =	ssyncset.done @!p0 $0x0  }
0xcf: {  	[sflag:s19] =	ssyncadd.s32 @!p0 $0xFFFF3800  }
0xd0: {  	v3 =	vld [tilespmem:s16+$0x0];
	_ =	sdelay $0x4  }
0xd1: {  	v49 =	vshll.u32 v3, $0x1  }
0xd2: {  	v3 =	vand.u32 $0x7, v3;
	v4 =	vand.u32 $0xFFFFFFF0, v49  }
0xd3: {  	v3 =	vor.u32 v3, v4  }
0xd4: {  	v4 =	vperm.xlane v3, v0;
	_ =	sdelay $0x1  }
0xd5: {  	v3 =	vperm.xlane v3, v2;
	v4 =	vadd.s32 v1, v4;
	_ =	sdelay $0x1  }
0xd6: {  	v3 =	vadd.s32 v1, v3;
	_ =	sdelay $0x2  }
0xd7: {  	[tilespmem:s10], [sflag:$0x6] =	stream.indirect_vreg.gather [hbm4b:s1+s3], $0x80, v4, vm0, $0xb8;
	[tilespmem:$0x1A400] =	vst v63  }
0xd8: {  	s20 =	rddreg [dreg:$0x5]  }
0xd9: {  	[tilespmem:s20], [sflag:$0x6] =	stream.indirect_vreg.gather [hbm4b:s1+s3], $0x80, v3, vm0, $0xb8;
	[tilespmem:$0x1A400] =	vst v63  }
0xda: {  	v3 =	vld [tilespmem:s16+$0x10];
	_ =	sdelay $0x4  }
0xdb: {  	v50 =	vshll.u32 v3, $0x1  }
0xdc: {  	v3 =	vand.u32 $0x7, v3;
	v4 =	vand.u32 $0xFFFFFFF0, v50  }
0xdd: {  	v3 =	vor.u32 v3, v4  }
0xde: {  	v4 =	vperm.xlane v3, v0;
	_ =	sdelay $0x1  }
0xdf: {  	v3 =	vperm.xlane v3, v2;
	v4 =	vadd.s32 v1, v4;
	_ =	sdelay $0x1  }
0xe0: {  	v3 =	vadd.s32 v1, v3;
	_ =	sdelay $0x1  }
0xe1: {  	s19 =	rddreg [dreg:$0x6]  }
0xe2: {  	[tilespmem:s19], [sflag:$0x6] =	stream.indirect_vreg.gather [hbm4b:s1+s3], $0x80, v4, vm0, $0xb8;
	[tilespmem:$0x1A400] =	vst v63  }
0xe3: {  	s20 =	rddreg [dreg:$0x7]  }
0xe4: {  	[tilespmem:s20], [sflag:$0x6] =	stream.indirect_vreg.gather [hbm4b:s1+s3], $0x80, v3, vm0, $0xb8;
	[tilespmem:$0x1A400] =	vst v63  }
0xe5: {  	v3 =	vld.msk [tilespmem:s16+$0x20], $0xff;
	_ =	sdelay $0x4  }
0xe6: {  	v51 =	vshll.u32 v3, $0x1  }
0xe7: {  	v3 =	vand.u32 $0x7, v3;
	v4 =	vand.u32 $0xFFFFFFF0, v51  }
0xe8: {  	v3 =	vor.u32 v3, v4  }
0xe9: {  	v3 =	vperm.xlane v3, v0;
	_ =	sdelay $0x1  }
0xea: {  	v3 =	vadd.s32 v1, v3;
	_ =	sdelay $0x3  }
0xeb: {  	s20 =	rddreg [dreg:$0x8]  }
0xec: {  	[tilespmem:s20], [sflag:$0x6] =	stream.indirect_vreg.gather [hbm4b:s1+s3], $0x80, v3, vm0, $0xb8;
	[tilespmem:$0x1A400] =	vst v63  }
0xed: {  	v3 =	vld [tilespmem:s16+$0x28];
	_ =	sdelay $0x4  }
0xee: {  	v52 =	vshll.u32 v3, $0x1  }
0xef: {  	v3 =	vand.u32 $0x7, v3;
	v4 =	vand.u32 $0xFFFFFFF0, v52  }
0xf0: {  	v3 =	vor.u32 v3, v4  }
0xf1: {  	v4 =	vperm.xlane v3, v0;
	_ =	sdelay $0x1  }
0xf2: {  	v3 =	vperm.xlane v3, v2;
	v4 =	vadd.s32 v1, v4;
	_ =	sdelay $0x1  }
0xf3: {  	v3 =	vadd.s32 v1, v3;
	_ =	sdelay $0x1  }
0xf4: {  	s19 =	rddreg [dreg:$0x9]  }
0xf5: {  	[tilespmem:s19], [sflag:$0x7] =	stream.indirect_vreg.gather [hbm4b:s1+s3], $0x80, v4, vm0, $0xb8;
	[tilespmem:$0x1A400] =	vst v63  }
0xf6: {  	s20 =	rddreg [dreg:$0xa]  }
0xf7: {  	[tilespmem:s20], [sflag:$0x7] =	stream.indirect_vreg.gather [hbm4b:s1+s3], $0x80, v3, vm0, $0xb8;
	[tilespmem:$0x1A400] =	vst v63  }
0xf8: {  	v3 =	vld [tilespmem:s16+$0x38];
	_ =	sdelay $0x4  }
0xf9: {  	v53 =	vshll.u32 v3, $0x1  }
0xfa: {  	v3 =	vand.u32 $0x7, v3;
	v4 =	vand.u32 $0xFFFFFFF0, v53  }
0xfb: {  	v3 =	vor.u32 v3, v4  }
0xfc: {  	v4 =	vperm.xlane v3, v0;
	_ =	sdelay $0x1  }
0xfd: {  	v3 =	vperm.xlane v3, v2;
	v4 =	vadd.s32 v1, v4;
	_ =	sdelay $0x1  }
0xfe: {  	v3 =	vadd.s32 v1, v3;
	_ =	sdelay $0x1  }
0xff: {  	s19 =	rddreg [dreg:$0xb]  }
0x100: {  	[tilespmem:s19], [sflag:$0x7] =	stream.indirect_vreg.gather [hbm4b:s1+s3], $0x80, v4, vm0, $0xb8;
	[tilespmem:$0x1A400] =	vst v63  }
0x101: {  	s20 =	rddreg [dreg:$0xc]  }
0x102: {  	[tilespmem:s20], [sflag:$0x7] =	stream.indirect_vreg.gather [hbm4b:s1+s3], $0x80, v3, vm0, $0xb8;
	[tilespmem:$0x1A400] =	vst v63  }
0x103: {  	v3 =	vld.msk [tilespmem:s16+$0x48], $0xff;
	_ =	sdelay $0x4  }
0x104: {  	v54 =	vshll.u32 v3, $0x1  }
0x105: {  	v3 =	vand.u32 $0x7, v3;
	v4 =	vand.u32 $0xFFFFFFF0, v54  }
0x106: {  	v3 =	vor.u32 v3, v4  }
0x107: {  	v3 =	vperm.xlane v3, v0;
	_ =	sdelay $0x1  }
0x108: {  	v3 =	vadd.s32 v1, v3;
	_ =	sdelay $0x3  }
0x109: {  	s20 =	rddreg [dreg:$0xd]  }
0x10a: {  	[tilespmem:s20], [sflag:$0x7] =	stream.indirect_vreg.gather [hbm4b:s1+s3], $0x80, v3, vm0, $0xb8;
	[tilespmem:$0x1A400] =	vst v63  }
0x10b: {  	v3 =	vld [tilespmem:s16+$0x50];
	_ =	sdelay $0x4  }
0x10c: {  	v55 =	vshll.u32 v3, $0x1  }
0x10d: {  	v3 =	vand.u32 $0x7, v3;
	v4 =	vand.u32 $0xFFFFFFF0, v55  }
0x10e: {  	v3 =	vor.u32 v3, v4  }
0x10f: {  	v4 =	vperm.xlane v3, v0;
	_ =	sdelay $0x1  }
0x110: {  	v3 =	vperm.xlane v3, v2;
	v4 =	vadd.s32 v1, v4;
	_ =	sdelay $0x1  }
0x111: {  	v3 =	vadd.s32 v1, v3;
	_ =	sdelay $0x1  }
0x112: {  	s19 =	rddreg [dreg:$0xe]  }
0x113: {  	[tilespmem:s19], [sflag:$0x8] =	stream.indirect_vreg.gather [hbm4b:s1+s3], $0x80, v4, vm0, $0xb8;
	[tilespmem:$0x1A400] =	vst v63  }
0x114: {  	s20 =	rddreg [dreg:$0xf]  }
0x115: {  	[tilespmem:s20], [sflag:$0x8] =	stream.indirect_vreg.gather [hbm4b:s1+s3], $0x80, v3, vm0, $0xb8;
	[tilespmem:$0x1A400] =	vst v63  }
0x116: {  	v3 =	vld [tilespmem:s16+$0x60];
	_ =	sdelay $0x4  }
0x117: {  	v56 =	vshll.u32 v3, $0x1  }
0x118: {  	v3 =	vand.u32 $0x7, v3;
	v4 =	vand.u32 $0xFFFFFFF0, v56  }
0x119: {  	v3 =	vor.u32 v3, v4  }
0x11a: {  	v4 =	vperm.xlane v3, v0;
	_ =	sdelay $0x1  }
0x11b: {  	v3 =	vperm.xlane v3, v2;
	v4 =	vadd.s32 v1, v4;
	_ =	sdelay $0x1  }
0x11c: {  	v3 =	vadd.s32 v1, v3;
	_ =	sdelay $0x1  }
0x11d: {  	s19 =	rddreg [dreg:$0x10]  }
0x11e: {  	[tilespmem:s19], [sflag:$0x8] =	stream.indirect_vreg.gather [hbm4b:s1+s3], $0x80, v4, vm0, $0xb8;
	[tilespmem:$0x1A400] =	vst v63  }
0x11f: {  	s20 =	rddreg [dreg:$0x11]  }
0x120: {  	[tilespmem:s20], [sflag:$0x8] =	stream.indirect_vreg.gather [hbm4b:s1+s3], $0x80, v3, vm0, $0xb8;
	[tilespmem:$0x1A400] =	vst v63  }
0x121: {  	v3 =	vld.msk [tilespmem:s16+$0x70], $0xff;
	_ =	sdelay $0x4  }
0x122: {  	v57 =	vshll.u32 v3, $0x1  }
0x123: {  	v3 =	vand.u32 $0x7, v3;
	v4 =	vand.u32 $0xFFFFFFF0, v57  }
0x124: {  	v3 =	vor.u32 v3, v4  }
0x125: {  	v3 =	vperm.xlane v3, v0;
	_ =	sdelay $0x1  }
0x126: {  	v3 =	vadd.s32 v1, v3;
	_ =	sdelay $0x3  }
0x127: {  	s20 =	rddreg [dreg:$0x12]  }
0x128: {  	[tilespmem:s20], [sflag:$0x8] =	stream.indirect_vreg.gather [hbm4b:s1+s3], $0x80, v3, vm0, $0xb8;
	[tilespmem:$0x1A400] =	vst v63  }
0x129: {  	v3 =	vld [tilespmem:s16+$0x78];
	_ =	sdelay $0x4  }
0x12a: {  	v58 =	vshll.u32 v3, $0x1  }
0x12b: {  	v3 =	vand.u32 $0x7, v3;
	v4 =	vand.u32 $0xFFFFFFF0, v58  }
0x12c: {  	v3 =	vor.u32 v3, v4  }
0x12d: {  	v4 =	vperm.xlane v3, v0;
	_ =	sdelay $0x1  }
0x12e: {  	v3 =	vperm.xlane v3, v2;
	v4 =	vadd.s32 v1, v4;
	_ =	sdelay $0x1  }
0x12f: {  	v3 =	vadd.s32 v1, v3;
	_ =	sdelay $0x1  }
0x130: {  	s19 =	rddreg [dreg:$0x13]  }
0x131: {  	[tilespmem:s19], [sflag:$0x9] =	stream.indirect_vreg.gather [hbm4b:s1+s3], $0x80, v4, vm0, $0xb8;
	[tilespmem:$0x1A400] =	vst v63  }
0x132: {  	s20 =	rddreg [dreg:$0x14]  }
0x133: {  	[tilespmem:s20], [sflag:$0x9] =	stream.indirect_vreg.gather [hbm4b:s1+s3], $0x80, v3, vm0, $0xb8;
	[tilespmem:$0x1A400] =	vst v63  }
0x134: {  	v3 =	vld [tilespmem:s16+$0x88];
	_ =	sdelay $0x4  }
0x135: {  	v59 =	vshll.u32 v3, $0x1  }
0x136: {  	v3 =	vand.u32 $0x7, v3;
	v4 =	vand.u32 $0xFFFFFFF0, v59  }
0x137: {  	v3 =	vor.u32 v3, v4  }
0x138: {  	v4 =	vperm.xlane v3, v0;
	_ =	sdelay $0x1  }
0x139: {  	v3 =	vperm.xlane v3, v2;
	v4 =	vadd.s32 v1, v4;
	_ =	sdelay $0x1  }
0x13a: {  	v3 =	vadd.s32 v1, v3;
	_ =	sdelay $0x1  }
0x13b: {  	s19 =	rddreg [dreg:$0x15]  }
0x13c: {  	[tilespmem:s19], [sflag:$0x9] =	stream.indirect_vreg.gather [hbm4b:s1+s3], $0x80, v4, vm0, $0xb8;
	[tilespmem:$0x1A400] =	vst v63  }
0x13d: {  	s20 =	rddreg [dreg:$0x16]  }
0x13e: {  	[tilespmem:s20], [sflag:$0x9] =	stream.indirect_vreg.gather [hbm4b:s1+s3], $0x80, v3, vm0, $0xb8;
	[tilespmem:$0x1A400] =	vst v63  }
0x13f: {  	v3 =	vld.msk [tilespmem:s16+$0x98], $0xff;
	_ =	sdelay $0x4  }
0x140: {  	v60 =	vshll.u32 v3, $0x1  }
0x141: {  	v3 =	vand.u32 $0x7, v3;
	v4 =	vand.u32 $0xFFFFFFF0, v60  }
0x142: {  	v3 =	vor.u32 v3, v4  }
0x143: {  	v3 =	vperm.xlane v3, v0;
	_ =	sdelay $0x1  }
0x144: {  	v3 =	vadd.s32 v1, v3;
	_ =	sdelay $0x3  }
0x145: {  	s20 =	rddreg [dreg:$0x17]  }
0x146: {  	[tilespmem:s20], [sflag:$0x9] =	stream.indirect_vreg.gather [hbm4b:s1+s3], $0x80, v3, vm0, $0xb8;
	[tilespmem:$0x1A400] =	vst v63  }
0x147: {  	v3 =	vld [tilespmem:s16+$0xA0];
	_ =	sdelay $0x4  }
0x148: {  	v61 =	vshll.u32 v3, $0x1  }
0x149: {  	v3 =	vand.u32 $0x7, v3;
	v4 =	vand.u32 $0xFFFFFFF0, v61  }
0x14a: {  	v3 =	vor.u32 v3, v4  }
0x14b: {  	v4 =	vperm.xlane v3, v0;
	_ =	sdelay $0x1  }
0x14c: {  	v3 =	vperm.xlane v3, v2;
	v4 =	vadd.s32 v1, v4;
	_ =	sdelay $0x1  }
0x14d: {  	v3 =	vadd.s32 v1, v3;
	_ =	sdelay $0x1  }
0x14e: {  	s19 =	rddreg [dreg:$0x18]  }
0x14f: {  	[tilespmem:s19], [sflag:$0xA] =	stream.indirect_vreg.gather [hbm4b:s1+s3], $0x80, v4, vm0, $0xb8;
	[tilespmem:$0x1A400] =	vst v63  }
0x150: {  	s20 =	rddreg [dreg:$0x19]  }
0x151: {  	[tilespmem:s20], [sflag:$0xA] =	stream.indirect_vreg.gather [hbm4b:s1+s3], $0x80, v3, vm0, $0xb8;
	[tilespmem:$0x1A400] =	vst v63  }
0x152: {  	v3 =	vld [tilespmem:s16+$0xB0];
	_ =	sdelay $0x4  }
0x153: {  	v62 =	vshll.u32 v3, $0x1  }
0x154: {  	v3 =	vand.u32 $0x7, v3;
	v4 =	vand.u32 $0xFFFFFFF0, v62  }
0x155: {  	v3 =	vor.u32 v3, v4  }
0x156: {  	v4 =	vperm.xlane v3, v0;
	_ =	sdelay $0x1  }
0x157: {  	v3 =	vperm.xlane v3, v2;
	v4 =	vadd.s32 v1, v4;
	_ =	sdelay $0x1  }
0x158: {  	v3 =	vadd.s32 v1, v3;
	_ =	sdelay $0x1  }
0x159: {  	s19 =	rddreg [dreg:$0x1a]  }
0x15a: {  	[tilespmem:s19], [sflag:$0xA] =	stream.indirect_vreg.gather [hbm4b:s1+s3], $0x80, v4, vm0, $0xb8;
	[tilespmem:$0x1A400] =	vst v63  }
0x15b: {  	s20 =	rddreg [dreg:$0x1b]  }
0x15c: {  	[tilespmem:s20], [sflag:$0xA] =	stream.indirect_vreg.gather [hbm4b:s1+s3], $0x80, v3, vm0, $0xb8;
	[tilespmem:$0x1A400] =	vst v63  }
0x15d: {  	v3 =	vld.msk [tilespmem:s16+$0xC0], $0xff;
	_ =	sdelay $0x4  }
0x15e: {  	v63 =	vshll.u32 v3, $0x1  }
0x15f: {  	v3 =	vand.u32 $0x7, v3;
	v4 =	vand.u32 $0xFFFFFFF0, v63  }
0x160: {  	v3 =	vor.u32 v3, v4  }
0x161: {  	v3 =	vperm.xlane v3, v0;
	_ =	sdelay $0x1  }
0x162: {  	v3 =	vadd.s32 v1, v3;
	_ =	sdelay $0x3  }
0x163: {  	s19 =	rddreg [dreg:$0x1c]  }
0x164: {  	[tilespmem:s19], [sflag:$0xA] =	stream.indirect_vreg.gather [hbm4b:s1+s3], $0x80, v3, vm0, $0xb8;
	[tilespmem:$0x1A400] =	vst v63  }
0x165: {  	_ =	swait.ge [sflag:s11], $0x2800  }
0x166: {  	[sflag:s11] =	ssyncset.done $0x0  }
0x167: {  	[sflag:s11] =	ssyncadd.s32 $0xFFFFD800  }
0x168: {  	_ =	swait.ge [sflag:s12], $0x2800  }
0x169: {  	[sflag:s12] =	ssyncset.done $0x0  }
0x16a: {  	[sflag:s12] =	ssyncadd.s32 $0xFFFFD800  }
0x16b: {  	_ =	swait.ge [sflag:s13], $0x2800  }
0x16c: {  	[sflag:s13] =	ssyncset.done $0x0  }
0x16d: {  	[sflag:s13] =	ssyncadd.s32 $0xFFFFD800  }
0x16e: {  	s17 =	sadd.s32 $0x3200, s17;
	_ =	swait.ge [sflag:s14], $0x2800  }
0x16f: {  	p0 =	sne.s32 s17, $0x25800;
	[sflag:s14] =	ssyncset.done $0x0  }
.Ltmp0:
0x170: {  	[sflag:s14] =	ssyncadd.s32 $0xFFFFD800;
	(pc) =	sbr.rel @p0 .LBB2_2-.Ltmp0, $4  }
0x171: {  	_ =	swait.ge [sflag:s15], $0x2800  }
0x172: {  	s18 =	sadd.s32 $0x1900, s18;
	s20 =	simm.s32 $0x2400;
	[sflag:s15] =	ssyncset.done $0x0  }
0x173: {  	s16 =	sadd.s32 $0x190, s16;
	s19 =	simm.s32 $0x1C00;
	[sflag:s15] =	ssyncadd.s32 $0xFFFFD800  }
0x174: {  	[hbm4b:s18+s3] =	stream.linear.scatter [tilespmem:s10], [sflag:$0xC], $0xC800, $0x38;
	[tilespmem:$0x1A400] =	vst v63  }
0x175: {  	s17 =	simm.s32 $0xB  }
0x176: {  	_ =	swait.ge [sflag:s17], $0xC800  }
0x177: {  	[sflag:s17] =	ssyncset.done $0x0  }
0x178: {  	[sflag:s17] =	ssyncadd.s32 $0xFFFF3800  }
0x179: {  	v3 =	vld [tilespmem:$0x12C0];
	_ =	sdelay $0x4  }
0x17a: {  	v4 =	vshll.u32 v3, $0x1  }
0x17b: {  	v3 =	vand.u32 $0x7, v3;
	v4 =	vand.u32 $0xFFFFFFF0, v4  }
0x17c: {  	v3 =	vor.u32 v3, v4  }
0x17d: {  	v4 =	vperm.xlane v3, v0;
	_ =	sdelay $0x1  }
0x17e: {  	v3 =	vperm.xlane v3, v2;
	v4 =	vadd.s32 v1, v4;
	_ =	sdelay $0x1  }
0x17f: {  	v3 =	vadd.s32 v1, v3;
	_ =	sdelay $0x2  }
0x180: {  	[tilespmem:s8], [sflag:$0x1] =	stream.indirect_vreg.gather [hbm4b:s1+s3], $0x80, v4, vm0, $0xb8;
	[tilespmem:$0x1A400] =	vst v63  }
0x181: {  	_ = 	snop  }
0x182: {  	[tilespmem:s19], [sflag:$0x1] =	stream.indirect_vreg.gather [hbm4b:s1+s3], $0x80, v3, vm0, $0xb8;
	[tilespmem:$0x1A400] =	vst v63  }
0x183: {  	v3 =	vld [tilespmem:$0x12D0];
	_ =	sdelay $0x4  }
0x184: {  	v50 =	vshll.u32 v3, $0x1  }
0x185: {  	v3 =	vand.u32 $0x7, v3;
	v4 =	vand.u32 $0xFFFFFFF0, v50  }
0x186: {  	v3 =	vor.u32 v3, v4  }
0x187: {  	v4 =	vperm.xlane v3, v0;
	_ =	sdelay $0x1  }
0x188: {  	v3 =	vperm.xlane v3, v2;
	v4 =	vadd.s32 v1, v4;
	_ =	sdelay $0x1  }
0x189: {  	v3 =	vadd.s32 v1, v3;
	_ =	sdelay $0x2  }
0x18a: {  	[tilespmem:s20], [sflag:$0x1] =	stream.indirect_vreg.gather [hbm4b:s1+s3], $0x80, v4, vm0, $0xb8;
	[tilespmem:$0x1A400] =	vst v63  }
0x18b: {  	_ = 	snop  }
0x18c: {  	[tilespmem:s21], [sflag:$0x1] =	stream.indirect_vreg.gather [hbm4b:s1+s3], $0x80, v3, vm0, $0xb8;
	[tilespmem:$0x1A400] =	vst v63  }
0x18d: {  	v3 =	vld.msk [tilespmem:$0x12E0], $0xff;
	_ =	sdelay $0x4  }
0x18e: {  	v51 =	vshll.u32 v3, $0x1  }
0x18f: {  	v3 =	vand.u32 $0x7, v3;
	v4 =	vand.u32 $0xFFFFFFF0, v51  }
0x190: {  	v3 =	vor.u32 v3, v4  }
0x191: {  	v3 =	vperm.xlane v3, v0;
	_ =	sdelay $0x1  }
0x192: {  	v3 =	vadd.s32 v1, v3;
	_ =	sdelay $0x4  }
0x193: {  	[tilespmem:s22], [sflag:$0x1] =	stream.indirect_vreg.gather [hbm4b:s1+s3], $0x80, v3, vm0, $0xb8;
	[tilespmem:$0x1A400] =	vst v63  }
0x194: {  	v3 =	vld [tilespmem:$0x12E8];
	_ =	sdelay $0x4  }
0x195: {  	v52 =	vshll.u32 v3, $0x1  }
0x196: {  	v3 =	vand.u32 $0x7, v3;
	v4 =	vand.u32 $0xFFFFFFF0, v52  }
0x197: {  	v3 =	vor.u32 v3, v4  }
0x198: {  	v4 =	vperm.xlane v3, v0;
	_ =	sdelay $0x1  }
0x199: {  	v3 =	vperm.xlane v3, v2;
	v4 =	vadd.s32 v1, v4;
	_ =	sdelay $0x1  }
0x19a: {  	v3 =	vadd.s32 v1, v3;
	_ =	sdelay $0x2  }
0x19b: {  	[tilespmem:s23], [sflag:$0x2] =	stream.indirect_vreg.gather [hbm4b:s1+s3], $0x80, v4, vm0, $0xb8;
	[tilespmem:$0x1A400] =	vst v63  }
0x19c: {  	_ = 	snop  }
0x19d: {  	[tilespmem:s24], [sflag:$0x2] =	stream.indirect_vreg.gather [hbm4b:s1+s3], $0x80, v3, vm0, $0xb8;
	[tilespmem:$0x1A400] =	vst v63  }
0x19e: {  	v3 =	vld [tilespmem:$0x12F8];
	_ =	sdelay $0x4  }
0x19f: {  	v53 =	vshll.u32 v3, $0x1  }
0x1a0: {  	v3 =	vand.u32 $0x7, v3;
	v4 =	vand.u32 $0xFFFFFFF0, v53  }
0x1a1: {  	v3 =	vor.u32 v3, v4  }
0x1a2: {  	v4 =	vperm.xlane v3, v0;
	_ =	sdelay $0x1  }
0x1a3: {  	v3 =	vperm.xlane v3, v2;
	v4 =	vadd.s32 v1, v4;
	_ =	sdelay $0x1  }
0x1a4: {  	v3 =	vadd.s32 v1, v3;
	_ =	sdelay $0x2  }
0x1a5: {  	[tilespmem:s25], [sflag:$0x2] =	stream.indirect_vreg.gather [hbm4b:s1+s3], $0x80, v4, vm0, $0xb8;
	[tilespmem:$0x1A400] =	vst v63  }
0x1a6: {  	_ = 	snop  }
0x1a7: {  	[tilespmem:s26], [sflag:$0x2] =	stream.indirect_vreg.gather [hbm4b:s1+s3], $0x80, v3, vm0, $0xb8;
	[tilespmem:$0x1A400] =	vst v63  }
0x1a8: {  	v3 =	vld.msk [tilespmem:$0x1308], $0xff;
	_ =	sdelay $0x4  }
0x1a9: {  	v54 =	vshll.u32 v3, $0x1  }
0x1aa: {  	v3 =	vand.u32 $0x7, v3;
	v4 =	vand.u32 $0xFFFFFFF0, v54  }
0x1ab: {  	v3 =	vor.u32 v3, v4  }
0x1ac: {  	v3 =	vperm.xlane v3, v0;
	_ =	sdelay $0x1  }
0x1ad: {  	v3 =	vadd.s32 v1, v3;
	_ =	sdelay $0x4  }
0x1ae: {  	[tilespmem:s28], [sflag:$0x2] =	stream.indirect_vreg.gather [hbm4b:s1+s3], $0x80, v3, vm0, $0xb8;
	[tilespmem:$0x1A400] =	vst v63  }
0x1af: {  	v3 =	vld [tilespmem:$0x1310];
	_ =	sdelay $0x4  }
0x1b0: {  	v55 =	vshll.u32 v3, $0x1  }
0x1b1: {  	v3 =	vand.u32 $0x7, v3;
	v4 =	vand.u32 $0xFFFFFFF0, v55  }
0x1b2: {  	v3 =	vor.u32 v3, v4  }
0x1b3: {  	v4 =	vperm.xlane v3, v0;
	_ =	sdelay $0x1  }
0x1b4: {  	v3 =	vperm.xlane v3, v2;
	v4 =	vadd.s32 v1, v4;
	_ =	sdelay $0x1  }
0x1b5: {  	v3 =	vadd.s32 v1, v3;
	_ =	sdelay $0x2  }
0x1b6: {  	[tilespmem:s29], [sflag:$0x3] =	stream.indirect_vreg.gather [hbm4b:s1+s3], $0x80, v4, vm0, $0xb8;
	[tilespmem:$0x1A400] =	vst v63  }
0x1b7: {  	_ = 	snop  }
0x1b8: {  	[tilespmem:s30], [sflag:$0x3] =	stream.indirect_vreg.gather [hbm4b:s1+s3], $0x80, v3, vm0, $0xb8;
	[tilespmem:$0x1A400] =	vst v63  }
0x1b9: {  	v3 =	vld [tilespmem:$0x1320];
	_ =	sdelay $0x4  }
0x1ba: {  	v56 =	vshll.u32 v3, $0x1  }
0x1bb: {  	v3 =	vand.u32 $0x7, v3;
	v4 =	vand.u32 $0xFFFFFFF0, v56  }
0x1bc: {  	v3 =	vor.u32 v3, v4  }
0x1bd: {  	v4 =	vperm.xlane v3, v0;
	_ =	sdelay $0x1  }
0x1be: {  	v3 =	vperm.xlane v3, v2;
	v4 =	vadd.s32 v1, v4;
	_ =	sdelay $0x1  }
0x1bf: {  	v3 =	vadd.s32 v1, v3;
	_ =	sdelay $0x2  }
0x1c0: {  	[tilespmem:s31], [sflag:$0x3] =	stream.indirect_vreg.gather [hbm4b:s1+s3], $0x80, v4, vm0, $0xb8;
	[tilespmem:$0x1A400] =	vst v63  }
0x1c1: {  	_ = 	snop  }
0x1c2: {  	[tilespmem:s0], [sflag:$0x3] =	stream.indirect_vreg.gather [hbm4b:s1+s3], $0x80, v3, vm0, $0xb8;
	[tilespmem:$0x1A400] =	vst v63  }
0x1c3: {  	v3 =	vld.msk [tilespmem:$0x1330], $0xff;
	_ =	sdelay $0x4  }
0x1c4: {  	v57 =	vshll.u32 v3, $0x1  }
0x1c5: {  	v3 =	vand.u32 $0x7, v3;
	v4 =	vand.u32 $0xFFFFFFF0, v57  }
0x1c6: {  	v3 =	vor.u32 v3, v4  }
0x1c7: {  	v3 =	vperm.xlane v3, v0;
	_ =	sdelay $0x1  }
0x1c8: {  	v3 =	vadd.s32 v1, v3;
	_ =	sdelay $0x4  }
0x1c9: {  	[tilespmem:s2], [sflag:$0x3] =	stream.indirect_vreg.gather [hbm4b:s1+s3], $0x80, v3, vm0, $0xb8;
	[tilespmem:$0x1A400] =	vst v63  }
0x1ca: {  	v3 =	vld [tilespmem:$0x1338];
	_ =	sdelay $0x4  }
0x1cb: {  	v58 =	vshll.u32 v3, $0x1  }
0x1cc: {  	v3 =	vand.u32 $0x7, v3;
	v4 =	vand.u32 $0xFFFFFFF0, v58  }
0x1cd: {  	v3 =	vor.u32 v3, v4  }
0x1ce: {  	v4 =	vperm.xlane v3, v0;
	_ =	sdelay $0x1  }
0x1cf: {  	v3 =	vperm.xlane v3, v2;
	v4 =	vadd.s32 v1, v4;
	_ =	sdelay $0x1  }
0x1d0: {  	v3 =	vadd.s32 v1, v3;
	_ =	sdelay $0x1  }
0x1d1: {  	s16 =	simm.s32 $0x8C00  }
0x1d2: {  	[tilespmem:s16], [sflag:$0x4] =	stream.indirect_vreg.gather [hbm4b:s1+s3], $0x80, v4, vm0, $0xb8;
	[tilespmem:$0x1A400] =	vst v63  }
0x1d3: {  	s18 =	simm.s32 $0x9400  }
0x1d4: {  	[tilespmem:s18], [sflag:$0x4] =	stream.indirect_vreg.gather [hbm4b:s1+s3], $0x80, v3, vm0, $0xb8;
	[tilespmem:$0x1A400] =	vst v63  }
0x1d5: {  	v3 =	vld [tilespmem:$0x1348];
	_ =	sdelay $0x4  }
0x1d6: {  	v59 =	vshll.u32 v3, $0x1  }
0x1d7: {  	v3 =	vand.u32 $0x7, v3;
	v4 =	vand.u32 $0xFFFFFFF0, v59  }
0x1d8: {  	v3 =	vor.u32 v3, v4  }
0x1d9: {  	v4 =	vperm.xlane v3, v0;
	_ =	sdelay $0x1  }
0x1da: {  	v3 =	vperm.xlane v3, v2;
	v4 =	vadd.s32 v1, v4;
	_ =	sdelay $0x1  }
0x1db: {  	v3 =	vadd.s32 v1, v3;
	_ =	sdelay $0x1  }
0x1dc: {  	s2 =	simm.s32 $0x9C00  }
0x1dd: {  	[tilespmem:s2], [sflag:$0x4] =	stream.indirect_vreg.gather [hbm4b:s1+s3], $0x80, v4, vm0, $0xb8;
	[tilespmem:$0x1A400] =	vst v63  }
0x1de: {  	s16 =	simm.s32 $0xA400  }
0x1df: {  	[tilespmem:s16], [sflag:$0x4] =	stream.indirect_vreg.gather [hbm4b:s1+s3], $0x80, v3, vm0, $0xb8;
	[tilespmem:$0x1A400] =	vst v63  }
0x1e0: {  	v3 =	vld.msk [tilespmem:$0x1358], $0xff;
	_ =	sdelay $0x4  }
0x1e1: {  	v60 =	vshll.u32 v3, $0x1  }
0x1e2: {  	v3 =	vand.u32 $0x7, v3;
	v4 =	vand.u32 $0xFFFFFFF0, v60  }
0x1e3: {  	v3 =	vor.u32 v3, v4  }
0x1e4: {  	v3 =	vperm.xlane v3, v0;
	_ =	sdelay $0x1  }
0x1e5: {  	v3 =	vadd.s32 v1, v3;
	_ =	sdelay $0x3  }
0x1e6: {  	s18 =	simm.s32 $0xAC00  }
0x1e7: {  	[tilespmem:s18], [sflag:$0x4] =	stream.indirect_vreg.gather [hbm4b:s1+s3], $0x80, v3, vm0, $0xb8;
	[tilespmem:$0x1A400] =	vst v63  }
0x1e8: {  	v3 =	vld [tilespmem:$0x1360];
	_ =	sdelay $0x4  }
0x1e9: {  	v61 =	vshll.u32 v3, $0x1  }
0x1ea: {  	v3 =	vand.u32 $0x7, v3;
	v4 =	vand.u32 $0xFFFFFFF0, v61  }
0x1eb: {  	v3 =	vor.u32 v3, v4  }
0x1ec: {  	v4 =	vperm.xlane v3, v0;
	_ =	sdelay $0x1  }
0x1ed: {  	v3 =	vperm.xlane v3, v2;
	v4 =	vadd.s32 v1, v4;
	_ =	sdelay $0x1  }
0x1ee: {  	v3 =	vadd.s32 v1, v3;
	_ =	sdelay $0x1  }
0x1ef: {  	s2 =	simm.s32 $0xB400  }
0x1f0: {  	[tilespmem:s2], [sflag:$0x5] =	stream.indirect_vreg.gather [hbm4b:s1+s3], $0x80, v4, vm0, $0xb8;
	[tilespmem:$0x1A400] =	vst v63  }
0x1f1: {  	s16 =	simm.s32 $0xBC00  }
0x1f2: {  	[tilespmem:s16], [sflag:$0x5] =	stream.indirect_vreg.gather [hbm4b:s1+s3], $0x80, v3, vm0, $0xb8;
	[tilespmem:$0x1A400] =	vst v63  }
0x1f3: {  	v3 =	vld [tilespmem:$0x1370];
	_ =	sdelay $0x4  }
0x1f4: {  	v62 =	vshll.u32 v3, $0x1  }
0x1f5: {  	v3 =	vand.u32 $0x7, v3;
	v4 =	vand.u32 $0xFFFFFFF0, v62  }
0x1f6: {  	v3 =	vor.u32 v3, v4  }
0x1f7: {  	v4 =	vperm.xlane v3, v0;
	_ =	sdelay $0x1  }
0x1f8: {  	v3 =	vperm.xlane v3, v2;
	v4 =	vadd.s32 v1, v4;
	_ =	sdelay $0x1  }
0x1f9: {  	v3 =	vadd.s32 v1, v3;
	_ =	sdelay $0x1  }
0x1fa: {  	s18 =	simm.s32 $0xC400  }
0x1fb: {  	[tilespmem:s18], [sflag:$0x5] =	stream.indirect_vreg.gather [hbm4b:s1+s3], $0x80, v4, vm0, $0xb8;
	[tilespmem:$0x1A400] =	vst v63  }
0x1fc: {  	s2 =	simm.s32 $0xCC00  }
0x1fd: {  	[tilespmem:s2], [sflag:$0x5] =	stream.indirect_vreg.gather [hbm4b:s1+s3], $0x80, v3, vm0, $0xb8;
	[tilespmem:$0x1A400] =	vst v63  }
0x1fe: {  	v3 =	vld.msk [tilespmem:$0x1380], $0xff;
	_ =	sdelay $0x4  }
0x1ff: {  	v63 =	vshll.u32 v3, $0x1  }
0x200: {  	v3 =	vand.u32 $0x7, v3;
	v4 =	vand.u32 $0xFFFFFFF0, v63  }
0x201: {  	v3 =	vor.u32 v3, v4  }
0x202: {  	v3 =	vperm.xlane v3, v0;
	_ =	sdelay $0x1  }
0x203: {  	v3 =	vadd.s32 v1, v3;
	_ =	sdelay $0x3  }
0x204: {  	s16 =	simm.s32 $0xD400  }
0x205: {  	[tilespmem:s16], [sflag:$0x5] =	stream.indirect_vreg.gather [hbm4b:s1+s3], $0x80, v3, vm0, $0xb8;
	[tilespmem:$0x1A400] =	vst v63  }
0x206: {  	_ =	swait.ge [sflag:s4], $0x2800  }
0x207: {  	[sflag:s4] =	ssyncset.done $0x0  }
0x208: {  	[sflag:s4] =	ssyncadd.s32 $0xFFFFD800  }
0x209: {  	_ =	swait.ge [sflag:s5], $0x2800  }
0x20a: {  	[sflag:s5] =	ssyncset.done $0x0  }
0x20b: {  	[sflag:s5] =	ssyncadd.s32 $0xFFFFD800  }
0x20c: {  	_ =	swait.ge [sflag:s6], $0x2800  }
0x20d: {  	[sflag:s6] =	ssyncset.done $0x0  }
0x20e: {  	[sflag:s6] =	ssyncadd.s32 $0xFFFFD800  }
0x20f: {  	_ =	swait.ge [sflag:s7], $0x2800  }
0x210: {  	[sflag:s7] =	ssyncset.done $0x0  }
0x211: {  	[sflag:s7] =	ssyncadd.s32 $0xFFFFD800  }
0x212: {  	_ =	swait.ge [sflag:s9], $0x2800  }
0x213: {  	[sflag:s9] =	ssyncset.done $0x0  }
0x214: {  	s16 =	rddreg [dreg:$0x1e];
	[sflag:s9] =	ssyncadd.s32 $0xFFFFD800  }
0x215: {  	[hbm4b:s16+s3] =	stream.linear.scatter [tilespmem:s8], [sflag:$0xB], $0xC800, $0x38;
	[tilespmem:$0x1A400] =	vst v63  }
0x216: {  	_ =	swait.ge [sflag:s17], $0xC800  }
0x217: {  	[sflag:s17] =	ssyncset.done $0x0  }
0x218: {  	s0 =	simm.s32 $0xC;
	[sflag:s17] =	ssyncadd.s32 $0xFFFF3800  }
0x219: {  	_ =	swait.ge [sflag:s0], $0xC800  }
0x21a: {  	s17 =	sld [smem:$0x7FD];
	_ =	sdelay $0x2  }
0x21b: {  	s18 =	rddreg [dreg:$0x1f];
	s2 =	sadd.s32 $0x1, s17  }
0x21c: {  	p0 =	sne.s32 s2, s18  }
.Ltmp1:
0x21d: {  	_ = 	snop;
	(pc) =	sbr.rel @p0 .LBB2_1-.Ltmp1, $3  }
0x21e: {  	_ =	sdelay $0x1  }
0x21f: {  	[sflag:s0] =	ssyncset.done $0x0  }
0x220: {  	[sflag:s0] =	ssyncadd.s32 $0xFFFF3800  }
0x221: {  	_ =	sfence.sel $0x180000  }
0x222: {  	[bflag:$0x0] =	sbarrier.arrive $0xFFFF  }
0x223: {  	_ =	strace $0x90000047  }
0x224: {  	s0 =	stileid.u32;
	[bflag:$0x2] =	sbarrier.arrive $0xFFFF  }
0x225: {  	p0 =	sne.s32 s0, $0x0;
	s0 =	rddreg [dreg:$0x3]  }
0x226: {  	s0 =	sadd.s32 @!p0 $0x100000, s0  }
0x227: {  	[sflag:s0] =	ssyncadd.tile.s32 @!p0 $0x1;
	_ =	shalt  }
.Lfunc_end2:
_tile_overlayer_lowered:
.L_overlay_start_2:
0x228: {  	(tag) =	ssettag $0x2  }
0x229: {  	s0 =	rddreg [dreg:$0x0];
	s2 =	stileid.u32  }
0x22a: {  	s1 =	rddreg [dreg:$0x1];
	p0 =	sne.s32 s2, $0x0  }
0x22b: {  	s3 =	rddreg [dreg:$0x2];
	[bflag:$0x3] =	sbarrier.arrive $0xFFFF;
	s2 =	simm.s32 @!p0 $0x1C0D  }
0x22c: {  	[timem:s3], [sflag:s2] =	dma.local @!p0 [hbm:s0], s1  }
0x22d: {  	s0 =	simm.s32 @!p0 $0xD  }
0x22e: {  	_ =	swait.ge @!p0 [sflag:s0], s1  }
0x22f: {  	s1 =	ssub.s32 @!p0 $0x0, s1;
	[sflag:s0] =	ssyncset.done @!p0 $0x0  }
0x230: {  	[sflag:s0] =	ssyncadd.s32 @!p0 s1  }
0x231: {  	[bflag:$0x3] =	sbarrier.arrive $0xFFFF  }
0x232: {  	_ =	shalt  }

</sc_bundles>
